<compile_context>
chip_gen: v7x
topology: tpu7x:2x2x1
jax: 0.10.2.dev20260603
libtpu: 0.0.44.dev20260713+nightly
codegen_flags: <defaults>
</compile_context>

<pallas_src>
import functools

import jax
import jax.numpy as jnp
from jax import lax
from jax.experimental import pallas as pl
from jax.experimental.pallas import tpu as pltpu
from jax.experimental.pallas import tpu_sc as plsc

N_NODES = 10000
D = 128
DEXT = 144
N_PAD = 10240
CHUNK = 128
N_SUBCORES = 16
ROWS_PER_TILE = N_PAD // N_SUBCORES
ROW_CHUNKS = ROWS_PER_TILE // CHUNK
CHUNKS_PER_TILE = 160
PAIRS = CHUNKS_PER_TILE // 2
EDGES_PER_TILE = CHUNKS_PER_TILE * CHUNK
E_PAD = EDGES_PER_TILE * N_SUBCORES

BLK = 1024


def _sc_body(featx_hbm, idxpk_hbm, sin_hbm, sout_hbm,
             pairA, pairB, rows0, rows1, accum, gsems, ssems, isems):
    c = lax.axis_index("c")
    s = lax.axis_index("s")
    tile_row0 = s * ROWS_PER_TILE

    zeros16 = jnp.zeros((16,), jnp.float32)

    def zrow(i, _):
        def zcol(j, _):
            rows0[i, pl.ds(j * 16, 16)] = zeros16
            return 0
        return lax.fori_loop(0, DEXT // 16, zcol, 0)

    lax.fori_loop(0, CHUNK, zrow, 0)

    def zacc(j, _):
        pltpu.sync_copy(rows0, accum.at[pl.ds(tile_row0 + j * CHUNK, CHUNK)])
        return 0

    lax.fori_loop(0, ROW_CHUNKS, zacc, 0)

    def direction(gslot, sslot, out_hbm):
        bufs = ((pairA, rows0, 0), (pairB, rows1, 1))

        def fire_idx(i, bs):
            pair, _, b = bs
            pltpu.async_copy(idxpk_hbm.at[s, i], pair, isems[b])

        def wait_idx(bs):
            pair, _, b = bs
            pltpu.make_async_copy(idxpk_hbm.at[s, 0], pair, isems[b]).wait()

        def fire_gather(bs):
            pair, rows, b = bs
            pltpu.async_copy(featx_hbm.at[pair.at[gslot]], rows, gsems[b])

        def wait_gather(bs):
            pair, rows, b = bs
            pltpu.make_async_copy(featx_hbm.at[pair.at[gslot]], rows,
                                  gsems[b]).wait()

        def fire_scatter(bs):
            pair, rows, b = bs
            pltpu.async_copy(rows, accum.at[pair.at[sslot]], ssems[b],
                             add=True)

        def wait_scatter(bs):
            pair, rows, b = bs
            pltpu.make_async_copy(rows, accum.at[pair.at[sslot]],
                                  ssems[b]).wait()

        A, B = bufs

        def half(nidx, X, Y, first=False):
            if not first:
                wait_scatter(Y)
            fire_idx(nidx, Y)
            wait_gather(X)
            fire_scatter(X)
            wait_idx(Y)
            fire_gather(Y)

        fire_idx(0, A)
        wait_idx(A)
        fire_gather(A)
        plsc.subcore_barrier()
        half(1, A, B, first=True)
        half(2, B, A)

        def body(k, _):
            i = 2 * k
            half(i + 1, A, B)
            half(i + 2, B, A)
            return 0

        lax.fori_loop(1, PAIRS - 1, body, 0)
        half(PAIRS * 2 - 1, A, B)
        wait_scatter(A)
        wait_gather(B)
        fire_scatter(B)
        wait_scatter(B)
        plsc.subcore_barrier()

        def cout(j, _):
            r0 = tile_row0 + j * CHUNK
            pltpu.sync_copy(accum.at[pl.ds(r0, CHUNK)], out_hbm.at[pl.ds(r0, CHUNK)])
            return 0

        lax.fori_loop(0, ROW_CHUNKS, cout, 0)

    @pl.when(c == 0)
    def _():
        direction(0, 1, sin_hbm)

    @pl.when(c == 1)
    def _():
        direction(1, 0, sout_hbm)


def _segment_sums(featx, idxpk):
    mesh = plsc.VectorSubcoreMesh(core_axis_name="c", subcore_axis_name="s")
    k = pl.kernel(
        _sc_body,
        out_type=(
            jax.ShapeDtypeStruct((N_PAD, DEXT), jnp.float32),
            jax.ShapeDtypeStruct((N_PAD, DEXT), jnp.float32),
        ),
        mesh=mesh,
        scratch_types=[
            pltpu.VMEM((2, CHUNK), jnp.int32),
            pltpu.VMEM((2, CHUNK), jnp.int32),
            pltpu.VMEM((CHUNK, DEXT), jnp.float32),
            pltpu.VMEM((CHUNK, DEXT), jnp.float32),
            pltpu.VMEM_SHARED((N_PAD, DEXT), jnp.float32),
            [pltpu.SemaphoreType.DMA] * 2,
            [pltpu.SemaphoreType.DMA] * 2,
            [pltpu.SemaphoreType.DMA] * 2,
        ],
        compiler_params=pltpu.CompilerParams(use_tc_tiling_on_sc=False),
    )
    return k(featx, idxpk)


def _tc_body(featx, sin, sout, w_in, b_in, w_out, b_out, w_ih, w_hh,
             b_ih, b_hh, out):
    f = featx[...][:, :D]
    si = sin[...]
    so = sout[...]
    deg_i = si[:, D:D + 1]
    deg_o = so[:, D:D + 1]
    mean_i = si[:, :D] / jnp.maximum(deg_i, 1.0)
    mean_o = so[:, :D] / jnp.maximum(deg_o, 1.0)
    m_i = jnp.minimum(deg_i, 1.0)
    m_o = jnp.minimum(deg_o, 1.0)

    def dotT(x, w):
        return lax.dot_general(x, w, (((1,), (1,)), ((), ())),
                               preferred_element_type=jnp.float32)

    a_i = dotT(mean_i, w_in[...]) + m_i * b_in[...]
    a_o = dotT(mean_o, w_out[...]) + m_o * b_out[...]
    wih = w_ih[...]
    gi = dotT(a_i, wih[:, :D]) + dotT(a_o, wih[:, D:]) + b_ih[...]
    gh = dotT(f, w_hh[...]) + b_hh[...]
    r = jax.nn.sigmoid(gi[:, :D] + gh[:, :D])
    z = jax.nn.sigmoid(gi[:, D:2 * D] + gh[:, D:2 * D])
    n = jnp.tanh(gi[:, 2 * D:] + r * gh[:, 2 * D:])
    out[...] = (1.0 - z) * n + z * f


def _gru_update(featx, sin, sout, W_in, b_in, W_out, b_out, W_ih, W_hh,
                b_ih, b_hh):
    grid = N_PAD // BLK
    row_spec = lambda shape: pl.BlockSpec((BLK, shape), lambda i: (i, 0))
    full = lambda s: pl.BlockSpec(s, lambda i: (0,) * len(s))
    return pl.pallas_call(
        _tc_body,
        grid=(grid,),
        in_specs=[
            row_spec(DEXT),
            row_spec(DEXT),
            row_spec(DEXT),
            full((D, D)),
            full((1, D)),
            full((D, D)),
            full((1, D)),
            full((3 * D, 2 * D)),
            full((3 * D, D)),
            full((1, 3 * D)),
            full((1, 3 * D)),
        ],
        out_specs=row_spec(D),
        out_shape=jax.ShapeDtypeStruct((N_PAD, D), jnp.float32),
    )(featx, sin, sout, W_in, b_in.reshape(1, D), W_out,
      b_out.reshape(1, D), W_ih, W_hh, b_ih.reshape(1, 3 * D),
      b_hh.reshape(1, 3 * D))


@jax.jit
def kernel(feat, edge_index, W_in, b_in, W_out, b_out, W_ih, W_hh, b_ih, b_hh):
    n = feat.shape[0]
    src = edge_index[0].astype(jnp.int32)
    dst = edge_index[1].astype(jnp.int32)
    e = src.shape[0]
    padlen = E_PAD - e
    fill = jnp.full((padlen,), n, jnp.int32)
    srcp = jnp.concatenate([src, fill]).reshape(N_SUBCORES, CHUNKS_PER_TILE, CHUNK)
    dstp = jnp.concatenate([dst, fill]).reshape(N_SUBCORES, CHUNKS_PER_TILE, CHUNK)
    idxpk = jnp.stack([srcp, dstp], axis=2)

    featx = jnp.zeros((N_PAD, DEXT), jnp.float32)
    featx = featx.at[:n, :D].set(feat)
    featx = featx.at[:n, D].set(1.0)

    sin, sout = _segment_sums(featx, idxpk)
    hn = _gru_update(featx, sin, sout, W_in, b_in, W_out, b_out, W_ih,
                     W_hh, b_ih, b_hh)
    return hn[:n]

# --- scband reference (transcript-rebuilt; emitter-appended) ---
"""Pipeline reference for scband-ggnn-56556129353757 (READ-ONLY COPY).

The authoritative reference and input builder live on the scoring server;
editing this copy changes nothing except your own understanding.
"""

import jax, jax.numpy as jnp
import numpy as np

N_NODES = 10000
N_EDGES = 320000
D = 128

def setup_inputs(seed: int = 0) -> dict:
    key = jax.random.key(seed)
    ks = jax.random.split(key, 12)
    feat = jax.random.normal(ks[0], (N_NODES, D), dtype=jnp.float32)
    edge_index = jax.random.randint(ks[1], (2, N_EDGES), 0, N_NODES, dtype=jnp.int64)
    s = 1.0 / np.sqrt(D)
    W_in = jax.random.uniform(ks[2], (D, D), jnp.float32, -s, s)
    b_in = jax.random.uniform(ks[3], (D,), jnp.float32, -s, s)
    W_out = jax.random.uniform(ks[4], (D, D), jnp.float32, -s, s)
    b_out = jax.random.uniform(ks[5], (D,), jnp.float32, -s, s)
    W_ih = jax.random.uniform(ks[6], (3 * D, 2 * D), jnp.float32, -s, s)
    W_hh = jax.random.uniform(ks[7], (3 * D, D), jnp.float32, -s, s)
    b_ih = jax.random.uniform(ks[8], (3 * D,), jnp.float32, -s, s)
    b_hh = jax.random.uniform(ks[9], (3 * D,), jnp.float32, -s, s)
    return {"feat": feat, "edge_index": edge_index, "W_in": W_in, "b_in": b_in, "W_out": W_out, "b_out": b_out, "W_ih": W_ih, "W_hh": W_hh, "b_ih": b_ih, "b_hh": b_hh}

def reference(feat, edge_index, W_in, b_in, W_out, b_out, W_ih, W_hh, b_ih, b_hh):
    N = feat.shape[0]
    H = feat.shape[1]
    src = edge_index[0]
    dst = edge_index[1]
    # fc_in / fc_out
    feat_in = feat @ W_in.T + b_in
    feat_out = feat @ W_out.T + b_out
    ones = jnp.ones((src.shape[0],), dtype=feat.dtype)
    # copy_u_mean on g: aggregate src features at dst
    deg_in = jax.ops.segment_sum(ones, dst, num_segments=N)
    a_in = jax.ops.segment_sum(feat_in[src], dst, num_segments=N) / jnp.maximum(deg_in, 1.0)[:, None]
    # copy_u_mean on reverse graph: aggregate dst features at src
    deg_out = jax.ops.segment_sum(ones, src, num_segments=N)
    a_out = jax.ops.segment_sum(feat_out[dst], src, num_segments=N) / jnp.maximum(deg_out, 1.0)[:, None]
    a = jnp.concatenate([a_in, a_out], axis=1)
    # GRUCell(a, feat)
    gi = a @ W_ih.T + b_ih
    gh = feat @ W_hh.T + b_hh
    i_r, i_z, i_n = gi[:, :H], gi[:, H:2 * H], gi[:, 2 * H:]
    h_r, h_z, h_n = gh[:, :H], gh[:, H:2 * H], gh[:, 2 * H:]
    r = jax.nn.sigmoid(i_r + h_r)
    z = jax.nn.sigmoid(i_z + h_z)
    n = jnp.tanh(i_n + r * h_n)
    hn = (1.0 - z) * n + z * feat
    return hn

if __name__ == "__main__":
    import jax
    _d = setup_inputs()
    print(jax.jit(kernel)(*tuple(_d.values())))

</pallas_src>

<mosaic_0001>
#map = affine_map<(d0, d1) -> (0, 0)>
#map1 = affine_map<(d0, d1) -> (0, 0, 0, 0)>
module attributes {stable_mosaic.version = 14 : i64} {
  func.func @_sc_body(%arg0: i32, %arg1: i32, %arg2: memref<10240x144xf32, #tpu.memory_space<hbm>>, %arg3: memref<16x160x2x128xi32, #tpu.memory_space<hbm>>, %arg4: memref<10240x144xf32, #tpu.memory_space<hbm>>, %arg5: memref<10240x144xf32, #tpu.memory_space<hbm>>, %arg6: memref<2x128xi32, #tpu.memory_space<vmem>>, %arg7: memref<2x128xi32, #tpu.memory_space<vmem>>, %arg8: memref<128x144xf32, #tpu.memory_space<vmem>>, %arg9: memref<128x144xf32, #tpu.memory_space<vmem>>, %arg10: memref<10240x144xf32, #tpu.memory_space<vmem_shared>>, %arg11: memref<!tpu.dma_semaphore, #tpu.memory_space<semaphore_mem>>, %arg12: memref<!tpu.dma_semaphore, #tpu.memory_space<semaphore_mem>>, %arg13: memref<!tpu.dma_semaphore, #tpu.memory_space<semaphore_mem>>, %arg14: memref<!tpu.dma_semaphore, #tpu.memory_space<semaphore_mem>>, %arg15: memref<!tpu.dma_semaphore, #tpu.memory_space<semaphore_mem>>, %arg16: memref<!tpu.dma_semaphore, #tpu.memory_space<semaphore_mem>>) attributes {dimension_semantics = [#tpu.dimension_semantics<core_parallel>, #tpu.dimension_semantics<subcore_parallel>], iteration_bounds = array<i64: 2, 16>, scalar_prefetch = 0 : i64, scratch_operands = 11 : i64, tpu.core_type = #tpu.core_type<sc_vector_subcore>, window_params = [{transform_indices = #map}, {transform_indices = #map1}, {transform_indices = #map}, {transform_indices = #map}]} {
    %mul3A = arith.constant 640 : i32
    %mul3A_0 = arith.muli %arg1, %mul3A : i32
    %broadcast_in_dim3A = arith.constant 0.000000e+00 : f32
    %broadcast_in_dim3A_1 = vector.broadcast %broadcast_in_dim3A : f32 to vector<16xf32>
    %scan3A = arith.constant 0 : i32
    %scan3A_2 = arith.constant 0 : i32
    %scan3A_3 = arith.constant 128 : i32
    %scan3A_4 = arith.addi %scan3A_2, %scan3A_3 : i32
    %scan3A_5 = arith.constant 1 : i32
    %scan3A_6 = scf.for %scan3A_22 = %scan3A_2 to %scan3A_4 step %scan3A_5 iter_args(%scan3A_23 = %scan3A) -> (i32)  : i32 {
      %scan3A_24 = arith.constant 0 : i32
      %scan3A_25 = arith.constant 0 : i32
      %scan3A_26 = arith.constant 9 : i32
      %scan3A_27 = arith.addi %scan3A_25, %scan3A_26 : i32
      %scan3A_28 = arith.constant 1 : i32
      %scan3A_29 = scf.for %scan3A_31 = %scan3A_25 to %scan3A_27 step %scan3A_28 iter_args(%scan3A_32 = %scan3A_24) -> (i32)  : i32 {
        %mul3A_33 = arith.constant 16 : i32
        %mul3A_34 = arith.muli %scan3A_31, %mul3A_33 : i32
        %swap3A = arith.index_cast %scan3A_22 : i32 to index
        %swap3A_35 = arith.index_cast %mul3A_34 : i32 to index
        %swap3A_36 = tpu.vector_load %arg8[%swap3A, %swap3A_35] {strides = array<i32>} : memref<128x144xf32, #tpu.memory_space<vmem>>, vector<1x16xf32>,
        %swap3A_37 = vector.shape_cast %swap3A_36 : vector<1x16xf32> to vector<16xf32>
        %swap3A_38 = vector.shape_cast %broadcast_in_dim3A_1 : vector<16xf32> to vector<1x16xf32>
        tpu.vector_store %arg8[%swap3A, %swap3A_35], %swap3A_38 {strides = array<i32>} : memref<128x144xf32, #tpu.memory_space<vmem>>, vector<1x16xf32>,
        %scan3A_39 = arith.constant 0 : i32
        scf.yield %scan3A_39 : i32
      }
      %scan3A_30 = arith.constant 9 : i32
      scf.yield %scan3A_29 : i32
    }
    %scan3A_7 = arith.constant 128 : i32
    %scan3A_8 = arith.constant 0 : i32
    %scan3A_9 = arith.constant 0 : i32
    %scan3A_10 = arith.constant 5 : i32
    %scan3A_11 = arith.addi %scan3A_9, %scan3A_10 : i32
    %scan3A_12 = arith.constant 1 : i32
    %scan3A_13 = scf.for %scan3A_22 = %scan3A_9 to %scan3A_11 step %scan3A_12 iter_args(%scan3A_23 = %scan3A_8) -> (i32)  : i32 {
      %mul3A_24 = arith.constant 128 : i32
      %mul3A_25 = arith.muli %scan3A_22, %mul3A_24 : i32
      %add3A = arith.addi %mul3A_0, %mul3A_25 : i32
      "tpu.region"() ({
        %run_scoped3A = tpu.sem_alloc : memref<!tpu.dma_semaphore, #tpu.memory_space<semaphore_mem>>
        %dma_start3A = arith.constant 0 : i32
        %dma_start3A_27 = tpu.memref_slice %arg10[%add3A, %dma_start3A] : memref<10240x144xf32, #tpu.memory_space<vmem_shared>> -> memref<128x144xf32, #tpu.memory_space<vmem_shared>>
        %dma_start3A_28 = arith.constant 0 : i32
        %dma_start3A_29 = tpu.memref_slice %arg10[%add3A, %dma_start3A_28] : memref<10240x144xf32, #tpu.memory_space<vmem_shared>> -> memref<128x144xf32, #tpu.memory_space<vmem_shared>>
        tpu.enqueue_dma source(%arg8 : memref<128x144xf32, #tpu.memory_space<vmem>>) target(%dma_start3A_29 : memref<128x144xf32, #tpu.memory_space<vmem_shared>>) target_semaphore(%run_scoped3A : memref<!tpu.dma_semaphore, #tpu.memory_space<semaphore_mem>>)
        %dma_wait3A = arith.constant 0 : i32
        %dma_wait3A_30 = tpu.memref_slice %arg10[%add3A, %dma_wait3A] : memref<10240x144xf32, #tpu.memory_space<vmem_shared>> -> memref<128x144xf32, #tpu.memory_space<vmem_shared>>
        %dma_wait3A_31 = arith.constant 0 : i32
        %dma_wait3A_32 = tpu.memref_slice %arg10[%add3A, %dma_wait3A_31] : memref<10240x144xf32, #tpu.memory_space<vmem_shared>> -> memref<128x144xf32, #tpu.memory_space<vmem_shared>>
        tpu.wait_dma2 semaphore(%run_scoped3A : memref<!tpu.dma_semaphore, #tpu.memory_space<semaphore_mem>>) src(%arg8 : memref<128x144xf32, #tpu.memory_space<vmem>>) dst(%dma_wait3A_32 : memref<128x144xf32, #tpu.memory_space<vmem_shared>>)
        tpu.yield
      }) : () -> ()
      %scan3A_26 = arith.constant 0 : i32
      scf.yield %scan3A_26 : i32
    }
    %scan3A_14 = arith.constant 5 : i32
    %eq3A = arith.constant 0 : i32
    %eq3A_15 = arith.cmpi eq, %arg0, %eq3A : i32
    %convert_element_type3A = arith.extui %eq3A_15 : i1 to i32
    %cond3A = arith.constant 0 : i32
    %cond3A_16 = arith.cmpi ne, %convert_element_type3A, %cond3A : i32
    scf.if %cond3A_16 {
      %dma_start3A = arith.constant 0 : i32
      %dma_start3A_22 = arith.constant 0 : i32
      %dma_start3A_23 = arith.constant 0 : i32
      %dma_start3A_24 = tpu.memref_slice %arg3[%arg1, %dma_start3A, %dma_start3A_22, %dma_start3A_23] : memref<16x160x2x128xi32, #tpu.memory_space<hbm>> -> memref<1x1x2x128xi32, #tpu.memory_space<hbm>>
      %dma_start3A_25 = tpu.memref_squeeze %dma_start3A_24 : memref<1x1x2x128xi32, #tpu.memory_space<hbm>> -> memref<2x128xi32, #tpu.memory_space<hbm>>
      %dma_start3A_26 = arith.constant 0 : i32
      %dma_start3A_27 = arith.constant 0 : i32
      %dma_start3A_28 = tpu.memref_slice %arg3[%arg1, %dma_start3A, %dma_start3A_26, %dma_start3A_27] : memref<16x160x2x128xi32, #tpu.memory_space<hbm>> -> memref<1x1x2x128xi32, #tpu.memory_space<hbm>>
      %dma_start3A_29 = tpu.memref_squeeze %dma_start3A_28 : memref<1x1x2x128xi32, #tpu.memory_space<hbm>> -> memref<2x128xi32, #tpu.memory_space<hbm>>
      tpu.enqueue_dma source(%dma_start3A_29 : memref<2x128xi32, #tpu.memory_space<hbm>>) target(%arg6 : memref<2x128xi32, #tpu.memory_space<vmem>>) target_semaphore(%arg15 : memref<!tpu.dma_semaphore, #tpu.memory_space<semaphore_mem>>)
      %dma_wait3A = arith.constant 0 : i32
      %dma_wait3A_30 = arith.constant 0 : i32
      %dma_wait3A_31 = arith.constant 0 : i32
      %dma_wait3A_32 = tpu.memref_slice %arg3[%arg1, %dma_wait3A, %dma_wait3A_30, %dma_wait3A_31] : memref<16x160x2x128xi32, #tpu.memory_space<hbm>> -> memref<1x1x2x128xi32, #tpu.memory_space<hbm>>
      %dma_wait3A_33 = tpu.memref_squeeze %dma_wait3A_32 : memref<1x1x2x128xi32, #tpu.memory_space<hbm>> -> memref<2x128xi32, #tpu.memory_space<hbm>>
      %dma_wait3A_34 = arith.constant 0 : i32
      %dma_wait3A_35 = arith.constant 0 : i32
      %dma_wait3A_36 = tpu.memref_slice %arg3[%arg1, %dma_wait3A, %dma_wait3A_34, %dma_wait3A_35] : memref<16x160x2x128xi32, #tpu.memory_space<hbm>> -> memref<1x1x2x128xi32, #tpu.memory_space<hbm>>
      %dma_wait3A_37 = tpu.memref_squeeze %dma_wait3A_36 : memref<1x1x2x128xi32, #tpu.memory_space<hbm>> -> memref<2x128xi32, #tpu.memory_space<hbm>>
      tpu.wait_dma2 semaphore(%arg15 : memref<!tpu.dma_semaphore, #tpu.memory_space<semaphore_mem>>) src(%dma_wait3A_37 : memref<2x128xi32, #tpu.memory_space<hbm>>) dst(%arg6 : memref<2x128xi32, #tpu.memory_space<vmem>>)
      %dma_start3A_38 = arith.constant 0 : i32
      %dma_start3A_39 = arith.constant 0 : i32
      %dma_start3A_40 = tpu.memref_slice %arg6[%dma_start3A_38, %dma_start3A_39] : memref<2x128xi32, #tpu.memory_space<vmem>> -> memref<1x128xi32, #tpu.memory_space<vmem>>
      %dma_start3A_41 = tpu.memref_squeeze %dma_start3A_40 : memref<1x128xi32, #tpu.memory_space<vmem>> -> memref<128xi32, #tpu.memory_space<vmem>>
      %dma_start3A_42 = arith.constant 0 : i32
      %dma_start3A_43 = arith.constant 0 : i32
      %dma_start3A_44 = tpu.memref_slice %arg2[%dma_start3A_42, %dma_start3A_43] : memref<10240x144xf32, #tpu.memory_space<hbm>> -> memref<10240x144xf32, #tpu.memory_space<hbm>>
      tpu.enqueue_indirect_dma source(%dma_start3A_44 : memref<10240x144xf32, #tpu.memory_space<hbm>>) target(%arg8 : memref<128x144xf32, #tpu.memory_space<vmem>>) offsets(%dma_start3A_41 : memref<128xi32, #tpu.memory_space<vmem>>) semaphore(%arg11 : memref<!tpu.dma_semaphore, #tpu.memory_space<semaphore_mem>>)
      %barrier3A = arith.constant 0 : index
      tpu.barrier barrier_id(%barrier3A)
      %dma_start3A_45 = arith.constant 1 : i32
      %dma_start3A_46 = arith.constant 0 : i32
      %dma_start3A_47 = arith.constant 0 : i32
      %dma_start3A_48 = tpu.memref_slice %arg3[%arg1, %dma_start3A_45, %dma_start3A_46, %dma_start3A_47] : memref<16x160x2x128xi32, #tpu.memory_space<hbm>> -> memref<1x1x2x128xi32, #tpu.memory_space<hbm>>
      %dma_start3A_49 = tpu.memref_squeeze %dma_start3A_48 : memref<1x1x2x128xi32, #tpu.memory_space<hbm>> -> memref<2x128xi32, #tpu.memory_space<hbm>>
      %dma_start3A_50 = arith.constant 0 : i32
      %dma_start3A_51 = arith.constant 0 : i32
      %dma_start3A_52 = tpu.memref_slice %arg3[%arg1, %dma_start3A_45, %dma_start3A_50, %dma_start3A_51] : memref<16x160x2x128xi32, #tpu.memory_space<hbm>> -> memref<1x1x2x128xi32, #tpu.memory_space<hbm>>
      %dma_start3A_53 = tpu.memref_squeeze %dma_start3A_52 : memref<1x1x2x128xi32, #tpu.memory_space<hbm>> -> memref<2x128xi32, #tpu.memory_space<hbm>>
      tpu.enqueue_dma source(%dma_start3A_53 : memref<2x128xi32, #tpu.memory_space<hbm>>) target(%arg7 : memref<2x128xi32, #tpu.memory_space<vmem>>) target_semaphore(%arg16 : memref<!tpu.dma_semaphore, #tpu.memory_space<semaphore_mem>>)
      %dma_wait3A_54 = arith.constant 0 : i32
      %dma_wait3A_55 = arith.constant 0 : i32
      %dma_wait3A_56 = tpu.memref_slice %arg6[%dma_wait3A_54, %dma_wait3A_55] : memref<2x128xi32, #tpu.memory_space<vmem>> -> memref<1x128xi32, #tpu.memory_space<vmem>>
      %dma_wait3A_57 = tpu.memref_squeeze %dma_wait3A_56 : memref<1x128xi32, #tpu.memory_space<vmem>> -> memref<128xi32, #tpu.memory_space<vmem>>
      %dma_wait3A_58 = arith.constant 0 : i32
      %dma_wait3A_59 = arith.constant 0 : i32
      %dma_wait3A_60 = tpu.memref_slice %arg2[%dma_wait3A_58, %dma_wait3A_59] : memref<10240x144xf32, #tpu.memory_space<hbm>> -> memref<10240x144xf32, #tpu.memory_space<hbm>>
      tpu.wait_indirect_dma semaphore(%arg11 : memref<!tpu.dma_semaphore, #tpu.memory_space<semaphore_mem>>) src(%dma_wait3A_60 : memref<10240x144xf32, #tpu.memory_space<hbm>>) dst(%arg8 : memref<128x144xf32, #tpu.memory_space<vmem>>)
      %dma_start3A_61 = arith.constant 1 : i32
      %dma_start3A_62 = arith.constant 0 : i32
      %dma_start3A_63 = tpu.memref_slice %arg6[%dma_start3A_61, %dma_start3A_62] : memref<2x128xi32, #tpu.memory_space<vmem>> -> memref<1x128xi32, #tpu.memory_space<vmem>>
      %dma_start3A_64 = tpu.memref_squeeze %dma_start3A_63 : memref<1x128xi32, #tpu.memory_space<vmem>> -> memref<128xi32, #tpu.memory_space<vmem>>
      %dma_start3A_65 = arith.constant 0 : i32
      %dma_start3A_66 = arith.constant 0 : i32
      %dma_start3A_67 = tpu.memref_slice %arg10[%dma_start3A_65, %dma_start3A_66] : memref<10240x144xf32, #tpu.memory_space<vmem_shared>> -> memref<10240x144xf32, #tpu.memory_space<vmem_shared>>
      tpu.enqueue_indirect_dma source(%arg8 : memref<128x144xf32, #tpu.memory_space<vmem>>) target(%dma_start3A_67 : memref<10240x144xf32, #tpu.memory_space<vmem_shared>>) offsets(%dma_start3A_64 : memref<128xi32, #tpu.memory_space<vmem>>) semaphore(%arg13 : memref<!tpu.dma_semaphore, #tpu.memory_space<semaphore_mem>>) {add = true}
      %dma_wait3A_68 = arith.constant 0 : i32
      %dma_wait3A_69 = arith.constant 0 : i32
      %dma_wait3A_70 = arith.constant 0 : i32
      %dma_wait3A_71 = tpu.memref_slice %arg3[%arg1, %dma_wait3A_68, %dma_wait3A_69, %dma_wait3A_70] : memref<16x160x2x128xi32, #tpu.memory_space<hbm>> -> memref<1x1x2x128xi32, #tpu.memory_space<hbm>>
      %dma_wait3A_72 = tpu.memref_squeeze %dma_wait3A_71 : memref<1x1x2x128xi32, #tpu.memory_space<hbm>> -> memref<2x128xi32, #tpu.memory_space<hbm>>
      %dma_wait3A_73 = arith.constant 0 : i32
      %dma_wait3A_74 = arith.constant 0 : i32
      %dma_wait3A_75 = tpu.memref_slice %arg3[%arg1, %dma_wait3A_68, %dma_wait3A_73, %dma_wait3A_74] : memref<16x160x2x128xi32, #tpu.memory_space<hbm>> -> memref<1x1x2x128xi32, #tpu.memory_space<hbm>>
      %dma_wait3A_76 = tpu.memref_squeeze %dma_wait3A_75 : memref<1x1x2x128xi32, #tpu.memory_space<hbm>> -> memref<2x128xi32, #tpu.memory_space<hbm>>
      tpu.wait_dma2 semaphore(%arg16 : memref<!tpu.dma_semaphore, #tpu.memory_space<semaphore_mem>>) src(%dma_wait3A_76 : memref<2x128xi32, #tpu.memory_space<hbm>>) dst(%arg7 : memref<2x128xi32, #tpu.memory_space<vmem>>)
      %dma_start3A_77 = arith.constant 0 : i32
      %dma_start3A_78 = arith.constant 0 : i32
      %dma_start3A_79 = tpu.memref_slice %arg7[%dma_start3A_77, %dma_start3A_78] : memref<2x128xi32, #tpu.memory_space<vmem>> -> memref<1x128xi32, #tpu.memory_space<vmem>>
      %dma_start3A_80 = tpu.memref_squeeze %dma_start3A_79 : memref<1x128xi32, #tpu.memory_space<vmem>> -> memref<128xi32, #tpu.memory_space<vmem>>
      %dma_start3A_81 = arith.constant 0 : i32
      %dma_start3A_82 = arith.constant 0 : i32
      %dma_start3A_83 = tpu.memref_slice %arg2[%dma_start3A_81, %dma_start3A_82] : memref<10240x144xf32, #tpu.memory_space<hbm>> -> memref<10240x144xf32, #tpu.memory_space<hbm>>
      tpu.enqueue_indirect_dma source(%dma_start3A_83 : memref<10240x144xf32, #tpu.memory_space<hbm>>) target(%arg9 : memref<128x144xf32, #tpu.memory_space<vmem>>) offsets(%dma_start3A_80 : memref<128xi32, #tpu.memory_space<vmem>>) semaphore(%arg12 : memref<!tpu.dma_semaphore, #tpu.memory_space<semaphore_mem>>)
      %dma_wait3A_84 = arith.constant 1 : i32
      %dma_wait3A_85 = arith.constant 0 : i32
      %dma_wait3A_86 = tpu.memref_slice %arg6[%dma_wait3A_84, %dma_wait3A_85] : memref<2x128xi32, #tpu.memory_space<vmem>> -> memref<1x128xi32, #tpu.memory_space<vmem>>
      %dma_wait3A_87 = tpu.memref_squeeze %dma_wait3A_86 : memref<1x128xi32, #tpu.memory_space<vmem>> -> memref<128xi32, #tpu.memory_space<vmem>>
      %dma_wait3A_88 = arith.constant 0 : i32
      %dma_wait3A_89 = arith.constant 0 : i32
      %dma_wait3A_90 = tpu.memref_slice %arg10[%dma_wait3A_88, %dma_wait3A_89] : memref<10240x144xf32, #tpu.memory_space<vmem_shared>> -> memref<10240x144xf32, #tpu.memory_space<vmem_shared>>
      tpu.wait_indirect_dma semaphore(%arg13 : memref<!tpu.dma_semaphore, #tpu.memory_space<semaphore_mem>>) src(%arg8 : memref<128x144xf32, #tpu.memory_space<vmem>>) dst(%dma_wait3A_90 : memref<10240x144xf32, #tpu.memory_space<vmem_shared>>)
      %dma_start3A_91 = arith.constant 2 : i32
      %dma_start3A_92 = arith.constant 0 : i32
      %dma_start3A_93 = arith.constant 0 : i32
      %dma_start3A_94 = tpu.memref_slice %arg3[%arg1, %dma_start3A_91, %dma_start3A_92, %dma_start3A_93] : memref<16x160x2x128xi32, #tpu.memory_space<hbm>> -> memref<1x1x2x128xi32, #tpu.memory_space<hbm>>
      %dma_start3A_95 = tpu.memref_squeeze %dma_start3A_94 : memref<1x1x2x128xi32, #tpu.memory_space<hbm>> -> memref<2x128xi32, #tpu.memory_space<hbm>>
      %dma_start3A_96 = arith.constant 0 : i32
      %dma_start3A_97 = arith.constant 0 : i32
      %dma_start3A_98 = tpu.memref_slice %arg3[%arg1, %dma_start3A_91, %dma_start3A_96, %dma_start3A_97] : memref<16x160x2x128xi32, #tpu.memory_space<hbm>> -> memref<1x1x2x128xi32, #tpu.memory_space<hbm>>
      %dma_start3A_99 = tpu.memref_squeeze %dma_start3A_98 : memref<1x1x2x128xi32, #tpu.memory_space<hbm>> -> memref<2x128xi32, #tpu.memory_space<hbm>>
      tpu.enqueue_dma source(%dma_start3A_99 : memref<2x128xi32, #tpu.memory_space<hbm>>) target(%arg6 : memref<2x128xi32, #tpu.memory_space<vmem>>) target_semaphore(%arg15 : memref<!tpu.dma_semaphore, #tpu.memory_space<semaphore_mem>>)
      %dma_wait3A_100 = arith.constant 0 : i32
      %dma_wait3A_101 = arith.constant 0 : i32
      %dma_wait3A_102 = tpu.memref_slice %arg7[%dma_wait3A_100, %dma_wait3A_101] : memref<2x128xi32, #tpu.memory_space<vmem>> -> memref<1x128xi32, #tpu.memory_space<vmem>>
      %dma_wait3A_103 = tpu.memref_squeeze %dma_wait3A_102 : memref<1x128xi32, #tpu.memory_space<vmem>> -> memref<128xi32, #tpu.memory_space<vmem>>
      %dma_wait3A_104 = arith.constant 0 : i32
      %dma_wait3A_105 = arith.constant 0 : i32
      %dma_wait3A_106 = tpu.memref_slice %arg2[%dma_wait3A_104, %dma_wait3A_105] : memref<10240x144xf32, #tpu.memory_space<hbm>> -> memref<10240x144xf32, #tpu.memory_space<hbm>>
      tpu.wait_indirect_dma semaphore(%arg12 : memref<!tpu.dma_semaphore, #tpu.memory_space<semaphore_mem>>) src(%dma_wait3A_106 : memref<10240x144xf32, #tpu.memory_space<hbm>>) dst(%arg9 : memref<128x144xf32, #tpu.memory_space<vmem>>)
      %dma_start3A_107 = arith.constant 1 : i32
      %dma_start3A_108 = arith.constant 0 : i32
      %dma_start3A_109 = tpu.memref_slice %arg7[%dma_start3A_107, %dma_start3A_108] : memref<2x128xi32, #tpu.memory_space<vmem>> -> memref<1x128xi32, #tpu.memory_space<vmem>>
      %dma_start3A_110 = tpu.memref_squeeze %dma_start3A_109 : memref<1x128xi32, #tpu.memory_space<vmem>> -> memref<128xi32, #tpu.memory_space<vmem>>
      %dma_start3A_111 = arith.constant 0 : i32
      %dma_start3A_112 = arith.constant 0 : i32
      %dma_start3A_113 = tpu.memref_slice %arg10[%dma_start3A_111, %dma_start3A_112] : memref<10240x144xf32, #tpu.memory_space<vmem_shared>> -> memref<10240x144xf32, #tpu.memory_space<vmem_shared>>
      tpu.enqueue_indirect_dma source(%arg9 : memref<128x144xf32, #tpu.memory_space<vmem>>) target(%dma_start3A_113 : memref<10240x144xf32, #tpu.memory_space<vmem_shared>>) offsets(%dma_start3A_110 : memref<128xi32, #tpu.memory_space<vmem>>) semaphore(%arg14 : memref<!tpu.dma_semaphore, #tpu.memory_space<semaphore_mem>>) {add = true}
      %dma_wait3A_114 = arith.constant 0 : i32
      %dma_wait3A_115 = arith.constant 0 : i32
      %dma_wait3A_116 = arith.constant 0 : i32
      %dma_wait3A_117 = tpu.memref_slice %arg3[%arg1, %dma_wait3A_114, %dma_wait3A_115, %dma_wait3A_116] : memref<16x160x2x128xi32, #tpu.memory_space<hbm>> -> memref<1x1x2x128xi32, #tpu.memory_space<hbm>>
      %dma_wait3A_118 = tpu.memref_squeeze %dma_wait3A_117 : memref<1x1x2x128xi32, #tpu.memory_space<hbm>> -> memref<2x128xi32, #tpu.memory_space<hbm>>
      %dma_wait3A_119 = arith.constant 0 : i32
      %dma_wait3A_120 = arith.constant 0 : i32
      %dma_wait3A_121 = tpu.memref_slice %arg3[%arg1, %dma_wait3A_114, %dma_wait3A_119, %dma_wait3A_120] : memref<16x160x2x128xi32, #tpu.memory_space<hbm>> -> memref<1x1x2x128xi32, #tpu.memory_space<hbm>>
      %dma_wait3A_122 = tpu.memref_squeeze %dma_wait3A_121 : memref<1x1x2x128xi32, #tpu.memory_space<hbm>> -> memref<2x128xi32, #tpu.memory_space<hbm>>
      tpu.wait_dma2 semaphore(%arg15 : memref<!tpu.dma_semaphore, #tpu.memory_space<semaphore_mem>>) src(%dma_wait3A_122 : memref<2x128xi32, #tpu.memory_space<hbm>>) dst(%arg6 : memref<2x128xi32, #tpu.memory_space<vmem>>)
      %dma_start3A_123 = arith.constant 0 : i32
      %dma_start3A_124 = arith.constant 0 : i32
      %dma_start3A_125 = tpu.memref_slice %arg6[%dma_start3A_123, %dma_start3A_124] : memref<2x128xi32, #tpu.memory_space<vmem>> -> memref<1x128xi32, #tpu.memory_space<vmem>>
      %dma_start3A_126 = tpu.memref_squeeze %dma_start3A_125 : memref<1x128xi32, #tpu.memory_space<vmem>> -> memref<128xi32, #tpu.memory_space<vmem>>
      %dma_start3A_127 = arith.constant 0 : i32
      %dma_start3A_128 = arith.constant 0 : i32
      %dma_start3A_129 = tpu.memref_slice %arg2[%dma_start3A_127, %dma_start3A_128] : memref<10240x144xf32, #tpu.memory_space<hbm>> -> memref<10240x144xf32, #tpu.memory_space<hbm>>
      tpu.enqueue_indirect_dma source(%dma_start3A_129 : memref<10240x144xf32, #tpu.memory_space<hbm>>) target(%arg8 : memref<128x144xf32, #tpu.memory_space<vmem>>) offsets(%dma_start3A_126 : memref<128xi32, #tpu.memory_space<vmem>>) semaphore(%arg11 : memref<!tpu.dma_semaphore, #tpu.memory_space<semaphore_mem>>)
      %scan3A_130 = arith.constant 0 : i32
      %scan3A_131 = arith.constant 1 : i32
      %scan3A_132 = arith.constant 78 : i32
      %scan3A_133 = arith.addi %scan3A_131, %scan3A_132 : i32
      %scan3A_134 = arith.constant 1 : i32
      %scan3A_135 = scf.for %scan3A_219 = %scan3A_131 to %scan3A_133 step %scan3A_134 iter_args(%scan3A_220 = %scan3A_130) -> (i32)  : i32 {
        %mul3A_221 = arith.constant 2 : i32
        %mul3A_222 = arith.muli %mul3A_221, %scan3A_219 : i32
        %add3A = arith.constant 1 : i32
        %add3A_223 = arith.addi %mul3A_222, %add3A : i32
        %dma_wait3A_224 = arith.constant 1 : i32
        %dma_wait3A_225 = arith.constant 0 : i32
        %dma_wait3A_226 = tpu.memref_slice %arg7[%dma_wait3A_224, %dma_wait3A_225] : memref<2x128xi32, #tpu.memory_space<vmem>> -> memref<1x128xi32, #tpu.memory_space<vmem>>
        %dma_wait3A_227 = tpu.memref_squeeze %dma_wait3A_226 : memref<1x128xi32, #tpu.memory_space<vmem>> -> memref<128xi32, #tpu.memory_space<vmem>>
        %dma_wait3A_228 = arith.constant 0 : i32
        %dma_wait3A_229 = arith.constant 0 : i32
        %dma_wait3A_230 = tpu.memref_slice %arg10[%dma_wait3A_228, %dma_wait3A_229] : memref<10240x144xf32, #tpu.memory_space<vmem_shared>> -> memref<10240x144xf32, #tpu.memory_space<vmem_shared>>
        tpu.wait_indirect_dma semaphore(%arg14 : memref<!tpu.dma_semaphore, #tpu.memory_space<semaphore_mem>>) src(%arg9 : memref<128x144xf32, #tpu.memory_space<vmem>>) dst(%dma_wait3A_230 : memref<10240x144xf32, #tpu.memory_space<vmem_shared>>)
        %dma_start3A_231 = arith.constant 0 : i32
        %dma_start3A_232 = arith.constant 0 : i32
        %dma_start3A_233 = tpu.memref_slice %arg3[%arg1, %add3A_223, %dma_start3A_231, %dma_start3A_232] : memref<16x160x2x128xi32, #tpu.memory_space<hbm>> -> memref<1x1x2x128xi32, #tpu.memory_space<hbm>>
        %dma_start3A_234 = tpu.memref_squeeze %dma_start3A_233 : memref<1x1x2x128xi32, #tpu.memory_space<hbm>> -> memref<2x128xi32, #tpu.memory_space<hbm>>
        %dma_start3A_235 = arith.constant 0 : i32
        %dma_start3A_236 = arith.constant 0 : i32
        %dma_start3A_237 = tpu.memref_slice %arg3[%arg1, %add3A_223, %dma_start3A_235, %dma_start3A_236] : memref<16x160x2x128xi32, #tpu.memory_space<hbm>> -> memref<1x1x2x128xi32, #tpu.memory_space<hbm>>
        %dma_start3A_238 = tpu.memref_squeeze %dma_start3A_237 : memref<1x1x2x128xi32, #tpu.memory_space<hbm>> -> memref<2x128xi32, #tpu.memory_space<hbm>>
        tpu.enqueue_dma source(%dma_start3A_238 : memref<2x128xi32, #tpu.memory_space<hbm>>) target(%arg7 : memref<2x128xi32, #tpu.memory_space<vmem>>) target_semaphore(%arg16 : memref<!tpu.dma_semaphore, #tpu.memory_space<semaphore_mem>>)
        %dma_wait3A_239 = arith.constant 0 : i32
        %dma_wait3A_240 = arith.constant 0 : i32
        %dma_wait3A_241 = tpu.memref_slice %arg6[%dma_wait3A_239, %dma_wait3A_240] : memref<2x128xi32, #tpu.memory_space<vmem>> -> memref<1x128xi32, #tpu.memory_space<vmem>>
        %dma_wait3A_242 = tpu.memref_squeeze %dma_wait3A_241 : memref<1x128xi32, #tpu.memory_space<vmem>> -> memref<128xi32, #tpu.memory_space<vmem>>
        %dma_wait3A_243 = arith.constant 0 : i32
        %dma_wait3A_244 = arith.constant 0 : i32
        %dma_wait3A_245 = tpu.memref_slice %arg2[%dma_wait3A_243, %dma_wait3A_244] : memref<10240x144xf32, #tpu.memory_space<hbm>> -> memref<10240x144xf32, #tpu.memory_space<hbm>>
        tpu.wait_indirect_dma semaphore(%arg11 : memref<!tpu.dma_semaphore, #tpu.memory_space<semaphore_mem>>) src(%dma_wait3A_245 : memref<10240x144xf32, #tpu.memory_space<hbm>>) dst(%arg8 : memref<128x144xf32, #tpu.memory_space<vmem>>)
        %dma_start3A_246 = arith.constant 1 : i32
        %dma_start3A_247 = arith.constant 0 : i32
        %dma_start3A_248 = tpu.memref_slice %arg6[%dma_start3A_246, %dma_start3A_247] : memref<2x128xi32, #tpu.memory_space<vmem>> -> memref<1x128xi32, #tpu.memory_space<vmem>>
        %dma_start3A_249 = tpu.memref_squeeze %dma_start3A_248 : memref<1x128xi32, #tpu.memory_space<vmem>> -> memref<128xi32, #tpu.memory_space<vmem>>
        %dma_start3A_250 = arith.constant 0 : i32
        %dma_start3A_251 = arith.constant 0 : i32
        %dma_start3A_252 = tpu.memref_slice %arg10[%dma_start3A_250, %dma_start3A_251] : memref<10240x144xf32, #tpu.memory_space<vmem_shared>> -> memref<10240x144xf32, #tpu.memory_space<vmem_shared>>
        tpu.enqueue_indirect_dma source(%arg8 : memref<128x144xf32, #tpu.memory_space<vmem>>) target(%dma_start3A_252 : memref<10240x144xf32, #tpu.memory_space<vmem_shared>>) offsets(%dma_start3A_249 : memref<128xi32, #tpu.memory_space<vmem>>) semaphore(%arg13 : memref<!tpu.dma_semaphore, #tpu.memory_space<semaphore_mem>>) {add = true}
        %dma_wait3A_253 = arith.constant 0 : i32
        %dma_wait3A_254 = arith.constant 0 : i32
        %dma_wait3A_255 = arith.constant 0 : i32
        %dma_wait3A_256 = tpu.memref_slice %arg3[%arg1, %dma_wait3A_253, %dma_wait3A_254, %dma_wait3A_255] : memref<16x160x2x128xi32, #tpu.memory_space<hbm>> -> memref<1x1x2x128xi32, #tpu.memory_space<hbm>>
        %dma_wait3A_257 = tpu.memref_squeeze %dma_wait3A_256 : memref<1x1x2x128xi32, #tpu.memory_space<hbm>> -> memref<2x128xi32, #tpu.memory_space<hbm>>
        %dma_wait3A_258 = arith.constant 0 : i32
        %dma_wait3A_259 = arith.constant 0 : i32
        %dma_wait3A_260 = tpu.memref_slice %arg3[%arg1, %dma_wait3A_253, %dma_wait3A_258, %dma_wait3A_259] : memref<16x160x2x128xi32, #tpu.memory_space<hbm>> -> memref<1x1x2x128xi32, #tpu.memory_space<hbm>>
        %dma_wait3A_261 = tpu.memref_squeeze %dma_wait3A_260 : memref<1x1x2x128xi32, #tpu.memory_space<hbm>> -> memref<2x128xi32, #tpu.memory_space<hbm>>
        tpu.wait_dma2 semaphore(%arg16 : memref<!tpu.dma_semaphore, #tpu.memory_space<semaphore_mem>>) src(%dma_wait3A_261 : memref<2x128xi32, #tpu.memory_space<hbm>>) dst(%arg7 : memref<2x128xi32, #tpu.memory_space<vmem>>)
        %dma_start3A_262 = arith.constant 0 : i32
        %dma_start3A_263 = arith.constant 0 : i32
        %dma_start3A_264 = tpu.memref_slice %arg7[%dma_start3A_262, %dma_start3A_263] : memref<2x128xi32, #tpu.memory_space<vmem>> -> memref<1x128xi32, #tpu.memory_space<vmem>>
        %dma_start3A_265 = tpu.memref_squeeze %dma_start3A_264 : memref<1x128xi32, #tpu.memory_space<vmem>> -> memref<128xi32, #tpu.memory_space<vmem>>
        %dma_start3A_266 = arith.constant 0 : i32
        %dma_start3A_267 = arith.constant 0 : i32
        %dma_start3A_268 = tpu.memref_slice %arg2[%dma_start3A_266, %dma_start3A_267] : memref<10240x144xf32, #tpu.memory_space<hbm>> -> memref<10240x144xf32, #tpu.memory_space<hbm>>
        tpu.enqueue_indirect_dma source(%dma_start3A_268 : memref<10240x144xf32, #tpu.memory_space<hbm>>) target(%arg9 : memref<128x144xf32, #tpu.memory_space<vmem>>) offsets(%dma_start3A_265 : memref<128xi32, #tpu.memory_space<vmem>>) semaphore(%arg12 : memref<!tpu.dma_semaphore, #tpu.memory_space<semaphore_mem>>)
        %add3A_269 = arith.constant 2 : i32
        %add3A_270 = arith.addi %mul3A_222, %add3A_269 : i32
        %dma_wait3A_271 = arith.constant 1 : i32
        %dma_wait3A_272 = arith.constant 0 : i32
        %dma_wait3A_273 = tpu.memref_slice %arg6[%dma_wait3A_271, %dma_wait3A_272] : memref<2x128xi32, #tpu.memory_space<vmem>> -> memref<1x128xi32, #tpu.memory_space<vmem>>
        %dma_wait3A_274 = tpu.memref_squeeze %dma_wait3A_273 : memref<1x128xi32, #tpu.memory_space<vmem>> -> memref<128xi32, #tpu.memory_space<vmem>>
        %dma_wait3A_275 = arith.constant 0 : i32
        %dma_wait3A_276 = arith.constant 0 : i32
        %dma_wait3A_277 = tpu.memref_slice %arg10[%dma_wait3A_275, %dma_wait3A_276] : memref<10240x144xf32, #tpu.memory_space<vmem_shared>> -> memref<10240x144xf32, #tpu.memory_space<vmem_shared>>
        tpu.wait_indirect_dma semaphore(%arg13 : memref<!tpu.dma_semaphore, #tpu.memory_space<semaphore_mem>>) src(%arg8 : memref<128x144xf32, #tpu.memory_space<vmem>>) dst(%dma_wait3A_277 : memref<10240x144xf32, #tpu.memory_space<vmem_shared>>)
        %dma_start3A_278 = arith.constant 0 : i32
        %dma_start3A_279 = arith.constant 0 : i32
        %dma_start3A_280 = tpu.memref_slice %arg3[%arg1, %add3A_270, %dma_start3A_278, %dma_start3A_279] : memref<16x160x2x128xi32, #tpu.memory_space<hbm>> -> memref<1x1x2x128xi32, #tpu.memory_space<hbm>>
        %dma_start3A_281 = tpu.memref_squeeze %dma_start3A_280 : memref<1x1x2x128xi32, #tpu.memory_space<hbm>> -> memref<2x128xi32, #tpu.memory_space<hbm>>
        %dma_start3A_282 = arith.constant 0 : i32
        %dma_start3A_283 = arith.constant 0 : i32
        %dma_start3A_284 = tpu.memref_slice %arg3[%arg1, %add3A_270, %dma_start3A_282, %dma_start3A_283] : memref<16x160x2x128xi32, #tpu.memory_space<hbm>> -> memref<1x1x2x128xi32, #tpu.memory_space<hbm>>
        %dma_start3A_285 = tpu.memref_squeeze %dma_start3A_284 : memref<1x1x2x128xi32, #tpu.memory_space<hbm>> -> memref<2x128xi32, #tpu.memory_space<hbm>>
        tpu.enqueue_dma source(%dma_start3A_285 : memref<2x128xi32, #tpu.memory_space<hbm>>) target(%arg6 : memref<2x128xi32, #tpu.memory_space<vmem>>) target_semaphore(%arg15 : memref<!tpu.dma_semaphore, #tpu.memory_space<semaphore_mem>>)
        %dma_wait3A_286 = arith.constant 0 : i32
        %dma_wait3A_287 = arith.constant 0 : i32
        %dma_wait3A_288 = tpu.memref_slice %arg7[%dma_wait3A_286, %dma_wait3A_287] : memref<2x128xi32, #tpu.memory_space<vmem>> -> memref<1x128xi32, #tpu.memory_space<vmem>>
        %dma_wait3A_289 = tpu.memref_squeeze %dma_wait3A_288 : memref<1x128xi32, #tpu.memory_space<vmem>> -> memref<128xi32, #tpu.memory_space<vmem>>
        %dma_wait3A_290 = arith.constant 0 : i32
        %dma_wait3A_291 = arith.constant 0 : i32
        %dma_wait3A_292 = tpu.memref_slice %arg2[%dma_wait3A_290, %dma_wait3A_291] : memref<10240x144xf32, #tpu.memory_space<hbm>> -> memref<10240x144xf32, #tpu.memory_space<hbm>>
        tpu.wait_indirect_dma semaphore(%arg12 : memref<!tpu.dma_semaphore, #tpu.memory_space<semaphore_mem>>) src(%dma_wait3A_292 : memref<10240x144xf32, #tpu.memory_space<hbm>>) dst(%arg9 : memref<128x144xf32, #tpu.memory_space<vmem>>)
        %dma_start3A_293 = arith.constant 1 : i32
        %dma_start3A_294 = arith.constant 0 : i32
        %dma_start3A_295 = tpu.memref_slice %arg7[%dma_start3A_293, %dma_start3A_294] : memref<2x128xi32, #tpu.memory_space<vmem>> -> memref<1x128xi32, #tpu.memory_space<vmem>>
        %dma_start3A_296 = tpu.memref_squeeze %dma_start3A_295 : memref<1x128xi32, #tpu.memory_space<vmem>> -> memref<128xi32, #tpu.memory_space<vmem>>
        %dma_start3A_297 = arith.constant 0 : i32
        %dma_start3A_298 = arith.constant 0 : i32
        %dma_start3A_299 = tpu.memref_slice %arg10[%dma_start3A_297, %dma_start3A_298] : memref<10240x144xf32, #tpu.memory_space<vmem_shared>> -> memref<10240x144xf32, #tpu.memory_space<vmem_shared>>
        tpu.enqueue_indirect_dma source(%arg9 : memref<128x144xf32, #tpu.memory_space<vmem>>) target(%dma_start3A_299 : memref<10240x144xf32, #tpu.memory_space<vmem_shared>>) offsets(%dma_start3A_296 : memref<128xi32, #tpu.memory_space<vmem>>) semaphore(%arg14 : memref<!tpu.dma_semaphore, #tpu.memory_space<semaphore_mem>>) {add = true}
        %dma_wait3A_300 = arith.constant 0 : i32
        %dma_wait3A_301 = arith.constant 0 : i32
        %dma_wait3A_302 = arith.constant 0 : i32
        %dma_wait3A_303 = tpu.memref_slice %arg3[%arg1, %dma_wait3A_300, %dma_wait3A_301, %dma_wait3A_302] : memref<16x160x2x128xi32, #tpu.memory_space<hbm>> -> memref<1x1x2x128xi32, #tpu.memory_space<hbm>>
        %dma_wait3A_304 = tpu.memref_squeeze %dma_wait3A_303 : memref<1x1x2x128xi32, #tpu.memory_space<hbm>> -> memref<2x128xi32, #tpu.memory_space<hbm>>
        %dma_wait3A_305 = arith.constant 0 : i32
        %dma_wait3A_306 = arith.constant 0 : i32
        %dma_wait3A_307 = tpu.memref_slice %arg3[%arg1, %dma_wait3A_300, %dma_wait3A_305, %dma_wait3A_306] : memref<16x160x2x128xi32, #tpu.memory_space<hbm>> -> memref<1x1x2x128xi32, #tpu.memory_space<hbm>>
        %dma_wait3A_308 = tpu.memref_squeeze %dma_wait3A_307 : memref<1x1x2x128xi32, #tpu.memory_space<hbm>> -> memref<2x128xi32, #tpu.memory_space<hbm>>
        tpu.wait_dma2 semaphore(%arg15 : memref<!tpu.dma_semaphore, #tpu.memory_space<semaphore_mem>>) src(%dma_wait3A_308 : memref<2x128xi32, #tpu.memory_space<hbm>>) dst(%arg6 : memref<2x128xi32, #tpu.memory_space<vmem>>)
        %dma_start3A_309 = arith.constant 0 : i32
        %dma_start3A_310 = arith.constant 0 : i32
        %dma_start3A_311 = tpu.memref_slice %arg6[%dma_start3A_309, %dma_start3A_310] : memref<2x128xi32, #tpu.memory_space<vmem>> -> memref<1x128xi32, #tpu.memory_space<vmem>>
        %dma_start3A_312 = tpu.memref_squeeze %dma_start3A_311 : memref<1x128xi32, #tpu.memory_space<vmem>> -> memref<128xi32, #tpu.memory_space<vmem>>
        %dma_start3A_313 = arith.constant 0 : i32
        %dma_start3A_314 = arith.constant 0 : i32
        %dma_start3A_315 = tpu.memref_slice %arg2[%dma_start3A_313, %dma_start3A_314] : memref<10240x144xf32, #tpu.memory_space<hbm>> -> memref<10240x144xf32, #tpu.memory_space<hbm>>
        tpu.enqueue_indirect_dma source(%dma_start3A_315 : memref<10240x144xf32, #tpu.memory_space<hbm>>) target(%arg8 : memref<128x144xf32, #tpu.memory_space<vmem>>) offsets(%dma_start3A_312 : memref<128xi32, #tpu.memory_space<vmem>>) semaphore(%arg11 : memref<!tpu.dma_semaphore, #tpu.memory_space<semaphore_mem>>)
        %scan3A_316 = arith.constant 0 : i32
        scf.yield %scan3A_316 : i32
      }
      %scan3A_136 = arith.constant 78 : i32
      %dma_wait3A_137 = arith.constant 1 : i32
      %dma_wait3A_138 = arith.constant 0 : i32
      %dma_wait3A_139 = tpu.memref_slice %arg7[%dma_wait3A_137, %dma_wait3A_138] : memref<2x128xi32, #tpu.memory_space<vmem>> -> memref<1x128xi32, #tpu.memory_space<vmem>>
      %dma_wait3A_140 = tpu.memref_squeeze %dma_wait3A_139 : memref<1x128xi32, #tpu.memory_space<vmem>> -> memref<128xi32, #tpu.memory_space<vmem>>
      %dma_wait3A_141 = arith.constant 0 : i32
      %dma_wait3A_142 = arith.constant 0 : i32
      %dma_wait3A_143 = tpu.memref_slice %arg10[%dma_wait3A_141, %dma_wait3A_142] : memref<10240x144xf32, #tpu.memory_space<vmem_shared>> -> memref<10240x144xf32, #tpu.memory_space<vmem_shared>>
      tpu.wait_indirect_dma semaphore(%arg14 : memref<!tpu.dma_semaphore, #tpu.memory_space<semaphore_mem>>) src(%arg9 : memref<128x144xf32, #tpu.memory_space<vmem>>) dst(%dma_wait3A_143 : memref<10240x144xf32, #tpu.memory_space<vmem_shared>>)
      %dma_start3A_144 = arith.constant 159 : i32
      %dma_start3A_145 = arith.constant 0 : i32
      %dma_start3A_146 = arith.constant 0 : i32
      %dma_start3A_147 = tpu.memref_slice %arg3[%arg1, %dma_start3A_144, %dma_start3A_145, %dma_start3A_146] : memref<16x160x2x128xi32, #tpu.memory_space<hbm>> -> memref<1x1x2x128xi32, #tpu.memory_space<hbm>>
      %dma_start3A_148 = tpu.memref_squeeze %dma_start3A_147 : memref<1x1x2x128xi32, #tpu.memory_space<hbm>> -> memref<2x128xi32, #tpu.memory_space<hbm>>
      %dma_start3A_149 = arith.constant 0 : i32
      %dma_start3A_150 = arith.constant 0 : i32
      %dma_start3A_151 = tpu.memref_slice %arg3[%arg1, %dma_start3A_144, %dma_start3A_149, %dma_start3A_150] : memref<16x160x2x128xi32, #tpu.memory_space<hbm>> -> memref<1x1x2x128xi32, #tpu.memory_space<hbm>>
      %dma_start3A_152 = tpu.memref_squeeze %dma_start3A_151 : memref<1x1x2x128xi32, #tpu.memory_space<hbm>> -> memref<2x128xi32, #tpu.memory_space<hbm>>
      tpu.enqueue_dma source(%dma_start3A_152 : memref<2x128xi32, #tpu.memory_space<hbm>>) target(%arg7 : memref<2x128xi32, #tpu.memory_space<vmem>>) target_semaphore(%arg16 : memref<!tpu.dma_semaphore, #tpu.memory_space<semaphore_mem>>)
      %dma_wait3A_153 = arith.constant 0 : i32
      %dma_wait3A_154 = arith.constant 0 : i32
      %dma_wait3A_155 = tpu.memref_slice %arg6[%dma_wait3A_153, %dma_wait3A_154] : memref<2x128xi32, #tpu.memory_space<vmem>> -> memref<1x128xi32, #tpu.memory_space<vmem>>
      %dma_wait3A_156 = tpu.memref_squeeze %dma_wait3A_155 : memref<1x128xi32, #tpu.memory_space<vmem>> -> memref<128xi32, #tpu.memory_space<vmem>>
      %dma_wait3A_157 = arith.constant 0 : i32
      %dma_wait3A_158 = arith.constant 0 : i32
      %dma_wait3A_159 = tpu.memref_slice %arg2[%dma_wait3A_157, %dma_wait3A_158] : memref<10240x144xf32, #tpu.memory_space<hbm>> -> memref<10240x144xf32, #tpu.memory_space<hbm>>
      tpu.wait_indirect_dma semaphore(%arg11 : memref<!tpu.dma_semaphore, #tpu.memory_space<semaphore_mem>>) src(%dma_wait3A_159 : memref<10240x144xf32, #tpu.memory_space<hbm>>) dst(%arg8 : memref<128x144xf32, #tpu.memory_space<vmem>>)
      %dma_start3A_160 = arith.constant 1 : i32
      %dma_start3A_161 = arith.constant 0 : i32
      %dma_start3A_162 = tpu.memref_slice %arg6[%dma_start3A_160, %dma_start3A_161] : memref<2x128xi32, #tpu.memory_space<vmem>> -> memref<1x128xi32, #tpu.memory_space<vmem>>
      %dma_start3A_163 = tpu.memref_squeeze %dma_start3A_162 : memref<1x128xi32, #tpu.memory_space<vmem>> -> memref<128xi32, #tpu.memory_space<vmem>>
      %dma_start3A_164 = arith.constant 0 : i32
      %dma_start3A_165 = arith.constant 0 : i32
      %dma_start3A_166 = tpu.memref_slice %arg10[%dma_start3A_164, %dma_start3A_165] : memref<10240x144xf32, #tpu.memory_space<vmem_shared>> -> memref<10240x144xf32, #tpu.memory_space<vmem_shared>>
      tpu.enqueue_indirect_dma source(%arg8 : memref<128x144xf32, #tpu.memory_space<vmem>>) target(%dma_start3A_166 : memref<10240x144xf32, #tpu.memory_space<vmem_shared>>) offsets(%dma_start3A_163 : memref<128xi32, #tpu.memory_space<vmem>>) semaphore(%arg13 : memref<!tpu.dma_semaphore, #tpu.memory_space<semaphore_mem>>) {add = true}
      %dma_wait3A_167 = arith.constant 0 : i32
      %dma_wait3A_168 = arith.constant 0 : i32
      %dma_wait3A_169 = arith.constant 0 : i32
      %dma_wait3A_170 = tpu.memref_slice %arg3[%arg1, %dma_wait3A_167, %dma_wait3A_168, %dma_wait3A_169] : memref<16x160x2x128xi32, #tpu.memory_space<hbm>> -> memref<1x1x2x128xi32, #tpu.memory_space<hbm>>
      %dma_wait3A_171 = tpu.memref_squeeze %dma_wait3A_170 : memref<1x1x2x128xi32, #tpu.memory_space<hbm>> -> memref<2x128xi32, #tpu.memory_space<hbm>>
      %dma_wait3A_172 = arith.constant 0 : i32
      %dma_wait3A_173 = arith.constant 0 : i32
      %dma_wait3A_174 = tpu.memref_slice %arg3[%arg1, %dma_wait3A_167, %dma_wait3A_172, %dma_wait3A_173] : memref<16x160x2x128xi32, #tpu.memory_space<hbm>> -> memref<1x1x2x128xi32, #tpu.memory_space<hbm>>
      %dma_wait3A_175 = tpu.memref_squeeze %dma_wait3A_174 : memref<1x1x2x128xi32, #tpu.memory_space<hbm>> -> memref<2x128xi32, #tpu.memory_space<hbm>>
      tpu.wait_dma2 semaphore(%arg16 : memref<!tpu.dma_semaphore, #tpu.memory_space<semaphore_mem>>) src(%dma_wait3A_175 : memref<2x128xi32, #tpu.memory_space<hbm>>) dst(%arg7 : memref<2x128xi32, #tpu.memory_space<vmem>>)
      %dma_start3A_176 = arith.constant 0 : i32
      %dma_start3A_177 = arith.constant 0 : i32
      %dma_start3A_178 = tpu.memref_slice %arg7[%dma_start3A_176, %dma_start3A_177] : memref<2x128xi32, #tpu.memory_space<vmem>> -> memref<1x128xi32, #tpu.memory_space<vmem>>
      %dma_start3A_179 = tpu.memref_squeeze %dma_start3A_178 : memref<1x128xi32, #tpu.memory_space<vmem>> -> memref<128xi32, #tpu.memory_space<vmem>>
      %dma_start3A_180 = arith.constant 0 : i32
      %dma_start3A_181 = arith.constant 0 : i32
      %dma_start3A_182 = tpu.memref_slice %arg2[%dma_start3A_180, %dma_start3A_181] : memref<10240x144xf32, #tpu.memory_space<hbm>> -> memref<10240x144xf32, #tpu.memory_space<hbm>>
      tpu.enqueue_indirect_dma source(%dma_start3A_182 : memref<10240x144xf32, #tpu.memory_space<hbm>>) target(%arg9 : memref<128x144xf32, #tpu.memory_space<vmem>>) offsets(%dma_start3A_179 : memref<128xi32, #tpu.memory_space<vmem>>) semaphore(%arg12 : memref<!tpu.dma_semaphore, #tpu.memory_space<semaphore_mem>>)
      %dma_wait3A_183 = arith.constant 1 : i32
      %dma_wait3A_184 = arith.constant 0 : i32
      %dma_wait3A_185 = tpu.memref_slice %arg6[%dma_wait3A_183, %dma_wait3A_184] : memref<2x128xi32, #tpu.memory_space<vmem>> -> memref<1x128xi32, #tpu.memory_space<vmem>>
      %dma_wait3A_186 = tpu.memref_squeeze %dma_wait3A_185 : memref<1x128xi32, #tpu.memory_space<vmem>> -> memref<128xi32, #tpu.memory_space<vmem>>
      %dma_wait3A_187 = arith.constant 0 : i32
      %dma_wait3A_188 = arith.constant 0 : i32
      %dma_wait3A_189 = tpu.memref_slice %arg10[%dma_wait3A_187, %dma_wait3A_188] : memref<10240x144xf32, #tpu.memory_space<vmem_shared>> -> memref<10240x144xf32, #tpu.memory_space<vmem_shared>>
      tpu.wait_indirect_dma semaphore(%arg13 : memref<!tpu.dma_semaphore, #tpu.memory_space<semaphore_mem>>) src(%arg8 : memref<128x144xf32, #tpu.memory_space<vmem>>) dst(%dma_wait3A_189 : memref<10240x144xf32, #tpu.memory_space<vmem_shared>>)
      %dma_wait3A_190 = arith.constant 0 : i32
      %dma_wait3A_191 = arith.constant 0 : i32
      %dma_wait3A_192 = tpu.memref_slice %arg7[%dma_wait3A_190, %dma_wait3A_191] : memref<2x128xi32, #tpu.memory_space<vmem>> -> memref<1x128xi32, #tpu.memory_space<vmem>>
      %dma_wait3A_193 = tpu.memref_squeeze %dma_wait3A_192 : memref<1x128xi32, #tpu.memory_space<vmem>> -> memref<128xi32, #tpu.memory_space<vmem>>
      %dma_wait3A_194 = arith.constant 0 : i32
      %dma_wait3A_195 = arith.constant 0 : i32
      %dma_wait3A_196 = tpu.memref_slice %arg2[%dma_wait3A_194, %dma_wait3A_195] : memref<10240x144xf32, #tpu.memory_space<hbm>> -> memref<10240x144xf32, #tpu.memory_space<hbm>>
      tpu.wait_indirect_dma semaphore(%arg12 : memref<!tpu.dma_semaphore, #tpu.memory_space<semaphore_mem>>) src(%dma_wait3A_196 : memref<10240x144xf32, #tpu.memory_space<hbm>>) dst(%arg9 : memref<128x144xf32, #tpu.memory_space<vmem>>)
      %dma_start3A_197 = arith.constant 1 : i32
      %dma_start3A_198 = arith.constant 0 : i32
      %dma_start3A_199 = tpu.memref_slice %arg7[%dma_start3A_197, %dma_start3A_198] : memref<2x128xi32, #tpu.memory_space<vmem>> -> memref<1x128xi32, #tpu.memory_space<vmem>>
      %dma_start3A_200 = tpu.memref_squeeze %dma_start3A_199 : memref<1x128xi32, #tpu.memory_space<vmem>> -> memref<128xi32, #tpu.memory_space<vmem>>
      %dma_start3A_201 = arith.constant 0 : i32
      %dma_start3A_202 = arith.constant 0 : i32
      %dma_start3A_203 = tpu.memref_slice %arg10[%dma_start3A_201, %dma_start3A_202] : memref<10240x144xf32, #tpu.memory_space<vmem_shared>> -> memref<10240x144xf32, #tpu.memory_space<vmem_shared>>
      tpu.enqueue_indirect_dma source(%arg9 : memref<128x144xf32, #tpu.memory_space<vmem>>) target(%dma_start3A_203 : memref<10240x144xf32, #tpu.memory_space<vmem_shared>>) offsets(%dma_start3A_200 : memref<128xi32, #tpu.memory_space<vmem>>) semaphore(%arg14 : memref<!tpu.dma_semaphore, #tpu.memory_space<semaphore_mem>>) {add = true}
      %dma_wait3A_204 = arith.constant 1 : i32
      %dma_wait3A_205 = arith.constant 0 : i32
      %dma_wait3A_206 = tpu.memref_slice %arg7[%dma_wait3A_204, %dma_wait3A_205] : memref<2x128xi32, #tpu.memory_space<vmem>> -> memref<1x128xi32, #tpu.memory_space<vmem>>
      %dma_wait3A_207 = tpu.memref_squeeze %dma_wait3A_206 : memref<1x128xi32, #tpu.memory_space<vmem>> -> memref<128xi32, #tpu.memory_space<vmem>>
      %dma_wait3A_208 = arith.constant 0 : i32
      %dma_wait3A_209 = arith.constant 0 : i32
      %dma_wait3A_210 = tpu.memref_slice %arg10[%dma_wait3A_208, %dma_wait3A_209] : memref<10240x144xf32, #tpu.memory_space<vmem_shared>> -> memref<10240x144xf32, #tpu.memory_space<vmem_shared>>
      tpu.wait_indirect_dma semaphore(%arg14 : memref<!tpu.dma_semaphore, #tpu.memory_space<semaphore_mem>>) src(%arg9 : memref<128x144xf32, #tpu.memory_space<vmem>>) dst(%dma_wait3A_210 : memref<10240x144xf32, #tpu.memory_space<vmem_shared>>)
      %barrier3A_211 = arith.constant 0 : index
      tpu.barrier barrier_id(%barrier3A_211)
      %scan3A_212 = arith.constant 0 : i32
      %scan3A_213 = arith.constant 0 : i32
      %scan3A_214 = arith.constant 5 : i32
      %scan3A_215 = arith.addi %scan3A_213, %scan3A_214 : i32
      %scan3A_216 = arith.constant 1 : i32
      %scan3A_217 = scf.for %scan3A_219 = %scan3A_213 to %scan3A_215 step %scan3A_216 iter_args(%scan3A_220 = %scan3A_212) -> (i32)  : i32 {
        %mul3A_221 = arith.constant 128 : i32
        %mul3A_222 = arith.muli %scan3A_219, %mul3A_221 : i32
        %add3A = arith.addi %mul3A_0, %mul3A_222 : i32
        "tpu.region"() ({
          %run_scoped3A = tpu.sem_alloc : memref<!tpu.dma_semaphore, #tpu.memory_space<semaphore_mem>>
          %dma_start3A_224 = arith.constant 0 : i32
          %dma_start3A_225 = tpu.memref_slice %arg4[%add3A, %dma_start3A_224] : memref<10240x144xf32, #tpu.memory_space<hbm>> -> memref<128x144xf32, #tpu.memory_space<hbm>>
          %dma_start3A_226 = arith.constant 0 : i32
          %dma_start3A_227 = tpu.memref_slice %arg10[%add3A, %dma_start3A_226] : memref<10240x144xf32, #tpu.memory_space<vmem_shared>> -> memref<128x144xf32, #tpu.memory_space<vmem_shared>>
          tpu.enqueue_dma source(%dma_start3A_227 : memref<128x144xf32, #tpu.memory_space<vmem_shared>>) target(%dma_start3A_225 : memref<128x144xf32, #tpu.memory_space<hbm>>) target_semaphore(%run_scoped3A : memref<!tpu.dma_semaphore, #tpu.memory_space<semaphore_mem>>)
          %dma_wait3A_228 = arith.constant 0 : i32
          %dma_wait3A_229 = tpu.memref_slice %arg4[%add3A, %dma_wait3A_228] : memref<10240x144xf32, #tpu.memory_space<hbm>> -> memref<128x144xf32, #tpu.memory_space<hbm>>
          %dma_wait3A_230 = arith.constant 0 : i32
          %dma_wait3A_231 = tpu.memref_slice %arg10[%add3A, %dma_wait3A_230] : memref<10240x144xf32, #tpu.memory_space<vmem_shared>> -> memref<128x144xf32, #tpu.memory_space<vmem_shared>>
          tpu.wait_dma2 semaphore(%run_scoped3A : memref<!tpu.dma_semaphore, #tpu.memory_space<semaphore_mem>>) src(%dma_wait3A_231 : memref<128x144xf32, #tpu.memory_space<vmem_shared>>) dst(%dma_wait3A_229 : memref<128x144xf32, #tpu.memory_space<hbm>>)
          tpu.yield
        }) : () -> ()
        %scan3A_223 = arith.constant 0 : i32
        scf.yield %scan3A_223 : i32
      }
      %scan3A_218 = arith.constant 5 : i32
    } else {
    }
    %eq3A_17 = arith.constant 1 : i32
    %eq3A_18 = arith.cmpi eq, %arg0, %eq3A_17 : i32
    %convert_element_type3A_19 = arith.extui %eq3A_18 : i1 to i32
    %cond3A_20 = arith.constant 0 : i32
    %cond3A_21 = arith.cmpi ne, %convert_element_type3A_19, %cond3A_20 : i32
    scf.if %cond3A_21 {
      %dma_start3A = arith.constant 0 : i32
      %dma_start3A_22 = arith.constant 0 : i32
      %dma_start3A_23 = arith.constant 0 : i32
      %dma_start3A_24 = tpu.memref_slice %arg3[%arg1, %dma_start3A, %dma_start3A_22, %dma_start3A_23] : memref<16x160x2x128xi32, #tpu.memory_space<hbm>> -> memref<1x1x2x128xi32, #tpu.memory_space<hbm>>
      %dma_start3A_25 = tpu.memref_squeeze %dma_start3A_24 : memref<1x1x2x128xi32, #tpu.memory_space<hbm>> -> memref<2x128xi32, #tpu.memory_space<hbm>>
      %dma_start3A_26 = arith.constant 0 : i32
      %dma_start3A_27 = arith.constant 0 : i32
      %dma_start3A_28 = tpu.memref_slice %arg3[%arg1, %dma_start3A, %dma_start3A_26, %dma_start3A_27] : memref<16x160x2x128xi32, #tpu.memory_space<hbm>> -> memref<1x1x2x128xi32, #tpu.memory_space<hbm>>
      %dma_start3A_29 = tpu.memref_squeeze %dma_start3A_28 : memref<1x1x2x128xi32, #tpu.memory_space<hbm>> -> memref<2x128xi32, #tpu.memory_space<hbm>>
      tpu.enqueue_dma source(%dma_start3A_29 : memref<2x128xi32, #tpu.memory_space<hbm>>) target(%arg6 : memref<2x128xi32, #tpu.memory_space<vmem>>) target_semaphore(%arg15 : memref<!tpu.dma_semaphore, #tpu.memory_space<semaphore_mem>>)
      %dma_wait3A = arith.constant 0 : i32
      %dma_wait3A_30 = arith.constant 0 : i32
      %dma_wait3A_31 = arith.constant 0 : i32
      %dma_wait3A_32 = tpu.memref_slice %arg3[%arg1, %dma_wait3A, %dma_wait3A_30, %dma_wait3A_31] : memref<16x160x2x128xi32, #tpu.memory_space<hbm>> -> memref<1x1x2x128xi32, #tpu.memory_space<hbm>>
      %dma_wait3A_33 = tpu.memref_squeeze %dma_wait3A_32 : memref<1x1x2x128xi32, #tpu.memory_space<hbm>> -> memref<2x128xi32, #tpu.memory_space<hbm>>
      %dma_wait3A_34 = arith.constant 0 : i32
      %dma_wait3A_35 = arith.constant 0 : i32
      %dma_wait3A_36 = tpu.memref_slice %arg3[%arg1, %dma_wait3A, %dma_wait3A_34, %dma_wait3A_35] : memref<16x160x2x128xi32, #tpu.memory_space<hbm>> -> memref<1x1x2x128xi32, #tpu.memory_space<hbm>>
      %dma_wait3A_37 = tpu.memref_squeeze %dma_wait3A_36 : memref<1x1x2x128xi32, #tpu.memory_space<hbm>> -> memref<2x128xi32, #tpu.memory_space<hbm>>
      tpu.wait_dma2 semaphore(%arg15 : memref<!tpu.dma_semaphore, #tpu.memory_space<semaphore_mem>>) src(%dma_wait3A_37 : memref<2x128xi32, #tpu.memory_space<hbm>>) dst(%arg6 : memref<2x128xi32, #tpu.memory_space<vmem>>)
      %dma_start3A_38 = arith.constant 1 : i32
      %dma_start3A_39 = arith.constant 0 : i32
      %dma_start3A_40 = tpu.memref_slice %arg6[%dma_start3A_38, %dma_start3A_39] : memref<2x128xi32, #tpu.memory_space<vmem>> -> memref<1x128xi32, #tpu.memory_space<vmem>>
      %dma_start3A_41 = tpu.memref_squeeze %dma_start3A_40 : memref<1x128xi32, #tpu.memory_space<vmem>> -> memref<128xi32, #tpu.memory_space<vmem>>
      %dma_start3A_42 = arith.constant 0 : i32
      %dma_start3A_43 = arith.constant 0 : i32
      %dma_start3A_44 = tpu.memref_slice %arg2[%dma_start3A_42, %dma_start3A_43] : memref<10240x144xf32, #tpu.memory_space<hbm>> -> memref<10240x144xf32, #tpu.memory_space<hbm>>
      tpu.enqueue_indirect_dma source(%dma_start3A_44 : memref<10240x144xf32, #tpu.memory_space<hbm>>) target(%arg8 : memref<128x144xf32, #tpu.memory_space<vmem>>) offsets(%dma_start3A_41 : memref<128xi32, #tpu.memory_space<vmem>>) semaphore(%arg11 : memref<!tpu.dma_semaphore, #tpu.memory_space<semaphore_mem>>)
      %barrier3A = arith.constant 0 : index
      tpu.barrier barrier_id(%barrier3A)
      %dma_start3A_45 = arith.constant 1 : i32
      %dma_start3A_46 = arith.constant 0 : i32
      %dma_start3A_47 = arith.constant 0 : i32
      %dma_start3A_48 = tpu.memref_slice %arg3[%arg1, %dma_start3A_45, %dma_start3A_46, %dma_start3A_47] : memref<16x160x2x128xi32, #tpu.memory_space<hbm>> -> memref<1x1x2x128xi32, #tpu.memory_space<hbm>>
      %dma_start3A_49 = tpu.memref_squeeze %dma_start3A_48 : memref<1x1x2x128xi32, #tpu.memory_space<hbm>> -> memref<2x128xi32, #tpu.memory_space<hbm>>
      %dma_start3A_50 = arith.constant 0 : i32
      %dma_start3A_51 = arith.constant 0 : i32
      %dma_start3A_52 = tpu.memref_slice %arg3[%arg1, %dma_start3A_45, %dma_start3A_50, %dma_start3A_51] : memref<16x160x2x128xi32, #tpu.memory_space<hbm>> -> memref<1x1x2x128xi32, #tpu.memory_space<hbm>>
      %dma_start3A_53 = tpu.memref_squeeze %dma_start3A_52 : memref<1x1x2x128xi32, #tpu.memory_space<hbm>> -> memref<2x128xi32, #tpu.memory_space<hbm>>
      tpu.enqueue_dma source(%dma_start3A_53 : memref<2x128xi32, #tpu.memory_space<hbm>>) target(%arg7 : memref<2x128xi32, #tpu.memory_space<vmem>>) target_semaphore(%arg16 : memref<!tpu.dma_semaphore, #tpu.memory_space<semaphore_mem>>)
      %dma_wait3A_54 = arith.constant 1 : i32
      %dma_wait3A_55 = arith.constant 0 : i32
      %dma_wait3A_56 = tpu.memref_slice %arg6[%dma_wait3A_54, %dma_wait3A_55] : memref<2x128xi32, #tpu.memory_space<vmem>> -> memref<1x128xi32, #tpu.memory_space<vmem>>
      %dma_wait3A_57 = tpu.memref_squeeze %dma_wait3A_56 : memref<1x128xi32, #tpu.memory_space<vmem>> -> memref<128xi32, #tpu.memory_space<vmem>>
      %dma_wait3A_58 = arith.constant 0 : i32
      %dma_wait3A_59 = arith.constant 0 : i32
      %dma_wait3A_60 = tpu.memref_slice %arg2[%dma_wait3A_58, %dma_wait3A_59] : memref<10240x144xf32, #tpu.memory_space<hbm>> -> memref<10240x144xf32, #tpu.memory_space<hbm>>
      tpu.wait_indirect_dma semaphore(%arg11 : memref<!tpu.dma_semaphore, #tpu.memory_space<semaphore_mem>>) src(%dma_wait3A_60 : memref<10240x144xf32, #tpu.memory_space<hbm>>) dst(%arg8 : memref<128x144xf32, #tpu.memory_space<vmem>>)
      %dma_start3A_61 = arith.constant 0 : i32
      %dma_start3A_62 = arith.constant 0 : i32
      %dma_start3A_63 = tpu.memref_slice %arg6[%dma_start3A_61, %dma_start3A_62] : memref<2x128xi32, #tpu.memory_space<vmem>> -> memref<1x128xi32, #tpu.memory_space<vmem>>
      %dma_start3A_64 = tpu.memref_squeeze %dma_start3A_63 : memref<1x128xi32, #tpu.memory_space<vmem>> -> memref<128xi32, #tpu.memory_space<vmem>>
      %dma_start3A_65 = arith.constant 0 : i32
      %dma_start3A_66 = arith.constant 0 : i32
      %dma_start3A_67 = tpu.memref_slice %arg10[%dma_start3A_65, %dma_start3A_66] : memref<10240x144xf32, #tpu.memory_space<vmem_shared>> -> memref<10240x144xf32, #tpu.memory_space<vmem_shared>>
      tpu.enqueue_indirect_dma source(%arg8 : memref<128x144xf32, #tpu.memory_space<vmem>>) target(%dma_start3A_67 : memref<10240x144xf32, #tpu.memory_space<vmem_shared>>) offsets(%dma_start3A_64 : memref<128xi32, #tpu.memory_space<vmem>>) semaphore(%arg13 : memref<!tpu.dma_semaphore, #tpu.memory_space<semaphore_mem>>) {add = true}
      %dma_wait3A_68 = arith.constant 0 : i32
      %dma_wait3A_69 = arith.constant 0 : i32
      %dma_wait3A_70 = arith.constant 0 : i32
      %dma_wait3A_71 = tpu.memref_slice %arg3[%arg1, %dma_wait3A_68, %dma_wait3A_69, %dma_wait3A_70] : memref<16x160x2x128xi32, #tpu.memory_space<hbm>> -> memref<1x1x2x128xi32, #tpu.memory_space<hbm>>
      %dma_wait3A_72 = tpu.memref_squeeze %dma_wait3A_71 : memref<1x1x2x128xi32, #tpu.memory_space<hbm>> -> memref<2x128xi32, #tpu.memory_space<hbm>>
      %dma_wait3A_73 = arith.constant 0 : i32
      %dma_wait3A_74 = arith.constant 0 : i32
      %dma_wait3A_75 = tpu.memref_slice %arg3[%arg1, %dma_wait3A_68, %dma_wait3A_73, %dma_wait3A_74] : memref<16x160x2x128xi32, #tpu.memory_space<hbm>> -> memref<1x1x2x128xi32, #tpu.memory_space<hbm>>
      %dma_wait3A_76 = tpu.memref_squeeze %dma_wait3A_75 : memref<1x1x2x128xi32, #tpu.memory_space<hbm>> -> memref<2x128xi32, #tpu.memory_space<hbm>>
      tpu.wait_dma2 semaphore(%arg16 : memref<!tpu.dma_semaphore, #tpu.memory_space<semaphore_mem>>) src(%dma_wait3A_76 : memref<2x128xi32, #tpu.memory_space<hbm>>) dst(%arg7 : memref<2x128xi32, #tpu.memory_space<vmem>>)
      %dma_start3A_77 = arith.constant 1 : i32
      %dma_start3A_78 = arith.constant 0 : i32
      %dma_start3A_79 = tpu.memref_slice %arg7[%dma_start3A_77, %dma_start3A_78] : memref<2x128xi32, #tpu.memory_space<vmem>> -> memref<1x128xi32, #tpu.memory_space<vmem>>
      %dma_start3A_80 = tpu.memref_squeeze %dma_start3A_79 : memref<1x128xi32, #tpu.memory_space<vmem>> -> memref<128xi32, #tpu.memory_space<vmem>>
      %dma_start3A_81 = arith.constant 0 : i32
      %dma_start3A_82 = arith.constant 0 : i32
      %dma_start3A_83 = tpu.memref_slice %arg2[%dma_start3A_81, %dma_start3A_82] : memref<10240x144xf32, #tpu.memory_space<hbm>> -> memref<10240x144xf32, #tpu.memory_space<hbm>>
      tpu.enqueue_indirect_dma source(%dma_start3A_83 : memref<10240x144xf32, #tpu.memory_space<hbm>>) target(%arg9 : memref<128x144xf32, #tpu.memory_space<vmem>>) offsets(%dma_start3A_80 : memref<128xi32, #tpu.memory_space<vmem>>) semaphore(%arg12 : memref<!tpu.dma_semaphore, #tpu.memory_space<semaphore_mem>>)
      %dma_wait3A_84 = arith.constant 0 : i32
      %dma_wait3A_85 = arith.constant 0 : i32
      %dma_wait3A_86 = tpu.memref_slice %arg6[%dma_wait3A_84, %dma_wait3A_85] : memref<2x128xi32, #tpu.memory_space<vmem>> -> memref<1x128xi32, #tpu.memory_space<vmem>>
      %dma_wait3A_87 = tpu.memref_squeeze %dma_wait3A_86 : memref<1x128xi32, #tpu.memory_space<vmem>> -> memref<128xi32, #tpu.memory_space<vmem>>
      %dma_wait3A_88 = arith.constant 0 : i32
      %dma_wait3A_89 = arith.constant 0 : i32
      %dma_wait3A_90 = tpu.memref_slice %arg10[%dma_wait3A_88, %dma_wait3A_89] : memref<10240x144xf32, #tpu.memory_space<vmem_shared>> -> memref<10240x144xf32, #tpu.memory_space<vmem_shared>>
      tpu.wait_indirect_dma semaphore(%arg13 : memref<!tpu.dma_semaphore, #tpu.memory_space<semaphore_mem>>) src(%arg8 : memref<128x144xf32, #tpu.memory_space<vmem>>) dst(%dma_wait3A_90 : memref<10240x144xf32, #tpu.memory_space<vmem_shared>>)
      %dma_start3A_91 = arith.constant 2 : i32
      %dma_start3A_92 = arith.constant 0 : i32
      %dma_start3A_93 = arith.constant 0 : i32
      %dma_start3A_94 = tpu.memref_slice %arg3[%arg1, %dma_start3A_91, %dma_start3A_92, %dma_start3A_93] : memref<16x160x2x128xi32, #tpu.memory_space<hbm>> -> memref<1x1x2x128xi32, #tpu.memory_space<hbm>>
      %dma_start3A_95 = tpu.memref_squeeze %dma_start3A_94 : memref<1x1x2x128xi32, #tpu.memory_space<hbm>> -> memref<2x128xi32, #tpu.memory_space<hbm>>
      %dma_start3A_96 = arith.constant 0 : i32
      %dma_start3A_97 = arith.constant 0 : i32
      %dma_start3A_98 = tpu.memref_slice %arg3[%arg1, %dma_start3A_91, %dma_start3A_96, %dma_start3A_97] : memref<16x160x2x128xi32, #tpu.memory_space<hbm>> -> memref<1x1x2x128xi32, #tpu.memory_space<hbm>>
      %dma_start3A_99 = tpu.memref_squeeze %dma_start3A_98 : memref<1x1x2x128xi32, #tpu.memory_space<hbm>> -> memref<2x128xi32, #tpu.memory_space<hbm>>
      tpu.enqueue_dma source(%dma_start3A_99 : memref<2x128xi32, #tpu.memory_space<hbm>>) target(%arg6 : memref<2x128xi32, #tpu.memory_space<vmem>>) target_semaphore(%arg15 : memref<!tpu.dma_semaphore, #tpu.memory_space<semaphore_mem>>)
      %dma_wait3A_100 = arith.constant 1 : i32
      %dma_wait3A_101 = arith.constant 0 : i32
      %dma_wait3A_102 = tpu.memref_slice %arg7[%dma_wait3A_100, %dma_wait3A_101] : memref<2x128xi32, #tpu.memory_space<vmem>> -> memref<1x128xi32, #tpu.memory_space<vmem>>
      %dma_wait3A_103 = tpu.memref_squeeze %dma_wait3A_102 : memref<1x128xi32, #tpu.memory_space<vmem>> -> memref<128xi32, #tpu.memory_space<vmem>>
      %dma_wait3A_104 = arith.constant 0 : i32
      %dma_wait3A_105 = arith.constant 0 : i32
      %dma_wait3A_106 = tpu.memref_slice %arg2[%dma_wait3A_104, %dma_wait3A_105] : memref<10240x144xf32, #tpu.memory_space<hbm>> -> memref<10240x144xf32, #tpu.memory_space<hbm>>
      tpu.wait_indirect_dma semaphore(%arg12 : memref<!tpu.dma_semaphore, #tpu.memory_space<semaphore_mem>>) src(%dma_wait3A_106 : memref<10240x144xf32, #tpu.memory_space<hbm>>) dst(%arg9 : memref<128x144xf32, #tpu.memory_space<vmem>>)
      %dma_start3A_107 = arith.constant 0 : i32
      %dma_start3A_108 = arith.constant 0 : i32
      %dma_start3A_109 = tpu.memref_slice %arg7[%dma_start3A_107, %dma_start3A_108] : memref<2x128xi32, #tpu.memory_space<vmem>> -> memref<1x128xi32, #tpu.memory_space<vmem>>
      %dma_start3A_110 = tpu.memref_squeeze %dma_start3A_109 : memref<1x128xi32, #tpu.memory_space<vmem>> -> memref<128xi32, #tpu.memory_space<vmem>>
      %dma_start3A_111 = arith.constant 0 : i32
      %dma_start3A_112 = arith.constant 0 : i32
      %dma_start3A_113 = tpu.memref_slice %arg10[%dma_start3A_111, %dma_start3A_112] : memref<10240x144xf32, #tpu.memory_space<vmem_shared>> -> memref<10240x144xf32, #tpu.memory_space<vmem_shared>>
      tpu.enqueue_indirect_dma source(%arg9 : memref<128x144xf32, #tpu.memory_space<vmem>>) target(%dma_start3A_113 : memref<10240x144xf32, #tpu.memory_space<vmem_shared>>) offsets(%dma_start3A_110 : memref<128xi32, #tpu.memory_space<vmem>>) semaphore(%arg14 : memref<!tpu.dma_semaphore, #tpu.memory_space<semaphore_mem>>) {add = true}
      %dma_wait3A_114 = arith.constant 0 : i32
      %dma_wait3A_115 = arith.constant 0 : i32
      %dma_wait3A_116 = arith.constant 0 : i32
      %dma_wait3A_117 = tpu.memref_slice %arg3[%arg1, %dma_wait3A_114, %dma_wait3A_115, %dma_wait3A_116] : memref<16x160x2x128xi32, #tpu.memory_space<hbm>> -> memref<1x1x2x128xi32, #tpu.memory_space<hbm>>
      %dma_wait3A_118 = tpu.memref_squeeze %dma_wait3A_117 : memref<1x1x2x128xi32, #tpu.memory_space<hbm>> -> memref<2x128xi32, #tpu.memory_space<hbm>>
      %dma_wait3A_119 = arith.constant 0 : i32
      %dma_wait3A_120 = arith.constant 0 : i32
      %dma_wait3A_121 = tpu.memref_slice %arg3[%arg1, %dma_wait3A_114, %dma_wait3A_119, %dma_wait3A_120] : memref<16x160x2x128xi32, #tpu.memory_space<hbm>> -> memref<1x1x2x128xi32, #tpu.memory_space<hbm>>
      %dma_wait3A_122 = tpu.memref_squeeze %dma_wait3A_121 : memref<1x1x2x128xi32, #tpu.memory_space<hbm>> -> memref<2x128xi32, #tpu.memory_space<hbm>>
      tpu.wait_dma2 semaphore(%arg15 : memref<!tpu.dma_semaphore, #tpu.memory_space<semaphore_mem>>) src(%dma_wait3A_122 : memref<2x128xi32, #tpu.memory_space<hbm>>) dst(%arg6 : memref<2x128xi32, #tpu.memory_space<vmem>>)
      %dma_start3A_123 = arith.constant 1 : i32
      %dma_start3A_124 = arith.constant 0 : i32
      %dma_start3A_125 = tpu.memref_slice %arg6[%dma_start3A_123, %dma_start3A_124] : memref<2x128xi32, #tpu.memory_space<vmem>> -> memref<1x128xi32, #tpu.memory_space<vmem>>
      %dma_start3A_126 = tpu.memref_squeeze %dma_start3A_125 : memref<1x128xi32, #tpu.memory_space<vmem>> -> memref<128xi32, #tpu.memory_space<vmem>>
      %dma_start3A_127 = arith.constant 0 : i32
      %dma_start3A_128 = arith.constant 0 : i32
      %dma_start3A_129 = tpu.memref_slice %arg2[%dma_start3A_127, %dma_start3A_128] : memref<10240x144xf32, #tpu.memory_space<hbm>> -> memref<10240x144xf32, #tpu.memory_space<hbm>>
      tpu.enqueue_indirect_dma source(%dma_start3A_129 : memref<10240x144xf32, #tpu.memory_space<hbm>>) target(%arg8 : memref<128x144xf32, #tpu.memory_space<vmem>>) offsets(%dma_start3A_126 : memref<128xi32, #tpu.memory_space<vmem>>) semaphore(%arg11 : memref<!tpu.dma_semaphore, #tpu.memory_space<semaphore_mem>>)
      %scan3A_130 = arith.constant 0 : i32
      %scan3A_131 = arith.constant 1 : i32
      %scan3A_132 = arith.constant 78 : i32
      %scan3A_133 = arith.addi %scan3A_131, %scan3A_132 : i32
      %scan3A_134 = arith.constant 1 : i32
      %scan3A_135 = scf.for %scan3A_219 = %scan3A_131 to %scan3A_133 step %scan3A_134 iter_args(%scan3A_220 = %scan3A_130) -> (i32)  : i32 {
        %mul3A_221 = arith.constant 2 : i32
        %mul3A_222 = arith.muli %mul3A_221, %scan3A_219 : i32
        %add3A = arith.constant 1 : i32
        %add3A_223 = arith.addi %mul3A_222, %add3A : i32
        %dma_wait3A_224 = arith.constant 0 : i32
        %dma_wait3A_225 = arith.constant 0 : i32
        %dma_wait3A_226 = tpu.memref_slice %arg7[%dma_wait3A_224, %dma_wait3A_225] : memref<2x128xi32, #tpu.memory_space<vmem>> -> memref<1x128xi32, #tpu.memory_space<vmem>>
        %dma_wait3A_227 = tpu.memref_squeeze %dma_wait3A_226 : memref<1x128xi32, #tpu.memory_space<vmem>> -> memref<128xi32, #tpu.memory_space<vmem>>
        %dma_wait3A_228 = arith.constant 0 : i32
        %dma_wait3A_229 = arith.constant 0 : i32
        %dma_wait3A_230 = tpu.memref_slice %arg10[%dma_wait3A_228, %dma_wait3A_229] : memref<10240x144xf32, #tpu.memory_space<vmem_shared>> -> memref<10240x144xf32, #tpu.memory_space<vmem_shared>>
        tpu.wait_indirect_dma semaphore(%arg14 : memref<!tpu.dma_semaphore, #tpu.memory_space<semaphore_mem>>) src(%arg9 : memref<128x144xf32, #tpu.memory_space<vmem>>) dst(%dma_wait3A_230 : memref<10240x144xf32, #tpu.memory_space<vmem_shared>>)
        %dma_start3A_231 = arith.constant 0 : i32
        %dma_start3A_232 = arith.constant 0 : i32
        %dma_start3A_233 = tpu.memref_slice %arg3[%arg1, %add3A_223, %dma_start3A_231, %dma_start3A_232] : memref<16x160x2x128xi32, #tpu.memory_space<hbm>> -> memref<1x1x2x128xi32, #tpu.memory_space<hbm>>
        %dma_start3A_234 = tpu.memref_squeeze %dma_start3A_233 : memref<1x1x2x128xi32, #tpu.memory_space<hbm>> -> memref<2x128xi32, #tpu.memory_space<hbm>>
        %dma_start3A_235 = arith.constant 0 : i32
        %dma_start3A_236 = arith.constant 0 : i32
        %dma_start3A_237 = tpu.memref_slice %arg3[%arg1, %add3A_223, %dma_start3A_235, %dma_start3A_236] : memref<16x160x2x128xi32, #tpu.memory_space<hbm>> -> memref<1x1x2x128xi32, #tpu.memory_space<hbm>>
        %dma_start3A_238 = tpu.memref_squeeze %dma_start3A_237 : memref<1x1x2x128xi32, #tpu.memory_space<hbm>> -> memref<2x128xi32, #tpu.memory_space<hbm>>
        tpu.enqueue_dma source(%dma_start3A_238 : memref<2x128xi32, #tpu.memory_space<hbm>>) target(%arg7 : memref<2x128xi32, #tpu.memory_space<vmem>>) target_semaphore(%arg16 : memref<!tpu.dma_semaphore, #tpu.memory_space<semaphore_mem>>)
        %dma_wait3A_239 = arith.constant 1 : i32
        %dma_wait3A_240 = arith.constant 0 : i32
        %dma_wait3A_241 = tpu.memref_slice %arg6[%dma_wait3A_239, %dma_wait3A_240] : memref<2x128xi32, #tpu.memory_space<vmem>> -> memref<1x128xi32, #tpu.memory_space<vmem>>
        %dma_wait3A_242 = tpu.memref_squeeze %dma_wait3A_241 : memref<1x128xi32, #tpu.memory_space<vmem>> -> memref<128xi32, #tpu.memory_space<vmem>>
        %dma_wait3A_243 = arith.constant 0 : i32
        %dma_wait3A_244 = arith.constant 0 : i32
        %dma_wait3A_245 = tpu.memref_slice %arg2[%dma_wait3A_243, %dma_wait3A_244] : memref<10240x144xf32, #tpu.memory_space<hbm>> -> memref<10240x144xf32, #tpu.memory_space<hbm>>
        tpu.wait_indirect_dma semaphore(%arg11 : memref<!tpu.dma_semaphore, #tpu.memory_space<semaphore_mem>>) src(%dma_wait3A_245 : memref<10240x144xf32, #tpu.memory_space<hbm>>) dst(%arg8 : memref<128x144xf32, #tpu.memory_space<vmem>>)
        %dma_start3A_246 = arith.constant 0 : i32
        %dma_start3A_247 = arith.constant 0 : i32
        %dma_start3A_248 = tpu.memref_slice %arg6[%dma_start3A_246, %dma_start3A_247] : memref<2x128xi32, #tpu.memory_space<vmem>> -> memref<1x128xi32, #tpu.memory_space<vmem>>
        %dma_start3A_249 = tpu.memref_squeeze %dma_start3A_248 : memref<1x128xi32, #tpu.memory_space<vmem>> -> memref<128xi32, #tpu.memory_space<vmem>>
        %dma_start3A_250 = arith.constant 0 : i32
        %dma_start3A_251 = arith.constant 0 : i32
        %dma_start3A_252 = tpu.memref_slice %arg10[%dma_start3A_250, %dma_start3A_251] : memref<10240x144xf32, #tpu.memory_space<vmem_shared>> -> memref<10240x144xf32, #tpu.memory_space<vmem_shared>>
        tpu.enqueue_indirect_dma source(%arg8 : memref<128x144xf32, #tpu.memory_space<vmem>>) target(%dma_start3A_252 : memref<10240x144xf32, #tpu.memory_space<vmem_shared>>) offsets(%dma_start3A_249 : memref<128xi32, #tpu.memory_space<vmem>>) semaphore(%arg13 : memref<!tpu.dma_semaphore, #tpu.memory_space<semaphore_mem>>) {add = true}
        %dma_wait3A_253 = arith.constant 0 : i32
        %dma_wait3A_254 = arith.constant 0 : i32
        %dma_wait3A_255 = arith.constant 0 : i32
        %dma_wait3A_256 = tpu.memref_slice %arg3[%arg1, %dma_wait3A_253, %dma_wait3A_254, %dma_wait3A_255] : memref<16x160x2x128xi32, #tpu.memory_space<hbm>> -> memref<1x1x2x128xi32, #tpu.memory_space<hbm>>
        %dma_wait3A_257 = tpu.memref_squeeze %dma_wait3A_256 : memref<1x1x2x128xi32, #tpu.memory_space<hbm>> -> memref<2x128xi32, #tpu.memory_space<hbm>>
        %dma_wait3A_258 = arith.constant 0 : i32
        %dma_wait3A_259 = arith.constant 0 : i32
        %dma_wait3A_260 = tpu.memref_slice %arg3[%arg1, %dma_wait3A_253, %dma_wait3A_258, %dma_wait3A_259] : memref<16x160x2x128xi32, #tpu.memory_space<hbm>> -> memref<1x1x2x128xi32, #tpu.memory_space<hbm>>
        %dma_wait3A_261 = tpu.memref_squeeze %dma_wait3A_260 : memref<1x1x2x128xi32, #tpu.memory_space<hbm>> -> memref<2x128xi32, #tpu.memory_space<hbm>>
        tpu.wait_dma2 semaphore(%arg16 : memref<!tpu.dma_semaphore, #tpu.memory_space<semaphore_mem>>) src(%dma_wait3A_261 : memref<2x128xi32, #tpu.memory_space<hbm>>) dst(%arg7 : memref<2x128xi32, #tpu.memory_space<vmem>>)
        %dma_start3A_262 = arith.constant 1 : i32
        %dma_start3A_263 = arith.constant 0 : i32
        %dma_start3A_264 = tpu.memref_slice %arg7[%dma_start3A_262, %dma_start3A_263] : memref<2x128xi32, #tpu.memory_space<vmem>> -> memref<1x128xi32, #tpu.memory_space<vmem>>
        %dma_start3A_265 = tpu.memref_squeeze %dma_start3A_264 : memref<1x128xi32, #tpu.memory_space<vmem>> -> memref<128xi32, #tpu.memory_space<vmem>>
        %dma_start3A_266 = arith.constant 0 : i32
        %dma_start3A_267 = arith.constant 0 : i32
        %dma_start3A_268 = tpu.memref_slice %arg2[%dma_start3A_266, %dma_start3A_267] : memref<10240x144xf32, #tpu.memory_space<hbm>> -> memref<10240x144xf32, #tpu.memory_space<hbm>>
        tpu.enqueue_indirect_dma source(%dma_start3A_268 : memref<10240x144xf32, #tpu.memory_space<hbm>>) target(%arg9 : memref<128x144xf32, #tpu.memory_space<vmem>>) offsets(%dma_start3A_265 : memref<128xi32, #tpu.memory_space<vmem>>) semaphore(%arg12 : memref<!tpu.dma_semaphore, #tpu.memory_space<semaphore_mem>>)
        %add3A_269 = arith.constant 2 : i32
        %add3A_270 = arith.addi %mul3A_222, %add3A_269 : i32
        %dma_wait3A_271 = arith.constant 0 : i32
        %dma_wait3A_272 = arith.constant 0 : i32
        %dma_wait3A_273 = tpu.memref_slice %arg6[%dma_wait3A_271, %dma_wait3A_272] : memref<2x128xi32, #tpu.memory_space<vmem>> -> memref<1x128xi32, #tpu.memory_space<vmem>>
        %dma_wait3A_274 = tpu.memref_squeeze %dma_wait3A_273 : memref<1x128xi32, #tpu.memory_space<vmem>> -> memref<128xi32, #tpu.memory_space<vmem>>
        %dma_wait3A_275 = arith.constant 0 : i32
        %dma_wait3A_276 = arith.constant 0 : i32
        %dma_wait3A_277 = tpu.memref_slice %arg10[%dma_wait3A_275, %dma_wait3A_276] : memref<10240x144xf32, #tpu.memory_space<vmem_shared>> -> memref<10240x144xf32, #tpu.memory_space<vmem_shared>>
        tpu.wait_indirect_dma semaphore(%arg13 : memref<!tpu.dma_semaphore, #tpu.memory_space<semaphore_mem>>) src(%arg8 : memref<128x144xf32, #tpu.memory_space<vmem>>) dst(%dma_wait3A_277 : memref<10240x144xf32, #tpu.memory_space<vmem_shared>>)
        %dma_start3A_278 = arith.constant 0 : i32
        %dma_start3A_279 = arith.constant 0 : i32
        %dma_start3A_280 = tpu.memref_slice %arg3[%arg1, %add3A_270, %dma_start3A_278, %dma_start3A_279] : memref<16x160x2x128xi32, #tpu.memory_space<hbm>> -> memref<1x1x2x128xi32, #tpu.memory_space<hbm>>
        %dma_start3A_281 = tpu.memref_squeeze %dma_start3A_280 : memref<1x1x2x128xi32, #tpu.memory_space<hbm>> -> memref<2x128xi32, #tpu.memory_space<hbm>>
        %dma_start3A_282 = arith.constant 0 : i32
        %dma_start3A_283 = arith.constant 0 : i32
        %dma_start3A_284 = tpu.memref_slice %arg3[%arg1, %add3A_270, %dma_start3A_282, %dma_start3A_283] : memref<16x160x2x128xi32, #tpu.memory_space<hbm>> -> memref<1x1x2x128xi32, #tpu.memory_space<hbm>>
        %dma_start3A_285 = tpu.memref_squeeze %dma_start3A_284 : memref<1x1x2x128xi32, #tpu.memory_space<hbm>> -> memref<2x128xi32, #tpu.memory_space<hbm>>
        tpu.enqueue_dma source(%dma_start3A_285 : memref<2x128xi32, #tpu.memory_space<hbm>>) target(%arg6 : memref<2x128xi32, #tpu.memory_space<vmem>>) target_semaphore(%arg15 : memref<!tpu.dma_semaphore, #tpu.memory_space<semaphore_mem>>)
        %dma_wait3A_286 = arith.constant 1 : i32
        %dma_wait3A_287 = arith.constant 0 : i32
        %dma_wait3A_288 = tpu.memref_slice %arg7[%dma_wait3A_286, %dma_wait3A_287] : memref<2x128xi32, #tpu.memory_space<vmem>> -> memref<1x128xi32, #tpu.memory_space<vmem>>
        %dma_wait3A_289 = tpu.memref_squeeze %dma_wait3A_288 : memref<1x128xi32, #tpu.memory_space<vmem>> -> memref<128xi32, #tpu.memory_space<vmem>>
        %dma_wait3A_290 = arith.constant 0 : i32
        %dma_wait3A_291 = arith.constant 0 : i32
        %dma_wait3A_292 = tpu.memref_slice %arg2[%dma_wait3A_290, %dma_wait3A_291] : memref<10240x144xf32, #tpu.memory_space<hbm>> -> memref<10240x144xf32, #tpu.memory_space<hbm>>
        tpu.wait_indirect_dma semaphore(%arg12 : memref<!tpu.dma_semaphore, #tpu.memory_space<semaphore_mem>>) src(%dma_wait3A_292 : memref<10240x144xf32, #tpu.memory_space<hbm>>) dst(%arg9 : memref<128x144xf32, #tpu.memory_space<vmem>>)
        %dma_start3A_293 = arith.constant 0 : i32
        %dma_start3A_294 = arith.constant 0 : i32
        %dma_start3A_295 = tpu.memref_slice %arg7[%dma_start3A_293, %dma_start3A_294] : memref<2x128xi32, #tpu.memory_space<vmem>> -> memref<1x128xi32, #tpu.memory_space<vmem>>
        %dma_start3A_296 = tpu.memref_squeeze %dma_start3A_295 : memref<1x128xi32, #tpu.memory_space<vmem>> -> memref<128xi32, #tpu.memory_space<vmem>>
        %dma_start3A_297 = arith.constant 0 : i32
        %dma_start3A_298 = arith.constant 0 : i32
        %dma_start3A_299 = tpu.memref_slice %arg10[%dma_start3A_297, %dma_start3A_298] : memref<10240x144xf32, #tpu.memory_space<vmem_shared>> -> memref<10240x144xf32, #tpu.memory_space<vmem_shared>>
        tpu.enqueue_indirect_dma source(%arg9 : memref<128x144xf32, #tpu.memory_space<vmem>>) target(%dma_start3A_299 : memref<10240x144xf32, #tpu.memory_space<vmem_shared>>) offsets(%dma_start3A_296 : memref<128xi32, #tpu.memory_space<vmem>>) semaphore(%arg14 : memref<!tpu.dma_semaphore, #tpu.memory_space<semaphore_mem>>) {add = true}
        %dma_wait3A_300 = arith.constant 0 : i32
        %dma_wait3A_301 = arith.constant 0 : i32
        %dma_wait3A_302 = arith.constant 0 : i32
        %dma_wait3A_303 = tpu.memref_slice %arg3[%arg1, %dma_wait3A_300, %dma_wait3A_301, %dma_wait3A_302] : memref<16x160x2x128xi32, #tpu.memory_space<hbm>> -> memref<1x1x2x128xi32, #tpu.memory_space<hbm>>
        %dma_wait3A_304 = tpu.memref_squeeze %dma_wait3A_303 : memref<1x1x2x128xi32, #tpu.memory_space<hbm>> -> memref<2x128xi32, #tpu.memory_space<hbm>>
        %dma_wait3A_305 = arith.constant 0 : i32
        %dma_wait3A_306 = arith.constant 0 : i32
        %dma_wait3A_307 = tpu.memref_slice %arg3[%arg1, %dma_wait3A_300, %dma_wait3A_305, %dma_wait3A_306] : memref<16x160x2x128xi32, #tpu.memory_space<hbm>> -> memref<1x1x2x128xi32, #tpu.memory_space<hbm>>
        %dma_wait3A_308 = tpu.memref_squeeze %dma_wait3A_307 : memref<1x1x2x128xi32, #tpu.memory_space<hbm>> -> memref<2x128xi32, #tpu.memory_space<hbm>>
        tpu.wait_dma2 semaphore(%arg15 : memref<!tpu.dma_semaphore, #tpu.memory_space<semaphore_mem>>) src(%dma_wait3A_308 : memref<2x128xi32, #tpu.memory_space<hbm>>) dst(%arg6 : memref<2x128xi32, #tpu.memory_space<vmem>>)
        %dma_start3A_309 = arith.constant 1 : i32
        %dma_start3A_310 = arith.constant 0 : i32
        %dma_start3A_311 = tpu.memref_slice %arg6[%dma_start3A_309, %dma_start3A_310] : memref<2x128xi32, #tpu.memory_space<vmem>> -> memref<1x128xi32, #tpu.memory_space<vmem>>
        %dma_start3A_312 = tpu.memref_squeeze %dma_start3A_311 : memref<1x128xi32, #tpu.memory_space<vmem>> -> memref<128xi32, #tpu.memory_space<vmem>>
        %dma_start3A_313 = arith.constant 0 : i32
        %dma_start3A_314 = arith.constant 0 : i32
        %dma_start3A_315 = tpu.memref_slice %arg2[%dma_start3A_313, %dma_start3A_314] : memref<10240x144xf32, #tpu.memory_space<hbm>> -> memref<10240x144xf32, #tpu.memory_space<hbm>>
        tpu.enqueue_indirect_dma source(%dma_start3A_315 : memref<10240x144xf32, #tpu.memory_space<hbm>>) target(%arg8 : memref<128x144xf32, #tpu.memory_space<vmem>>) offsets(%dma_start3A_312 : memref<128xi32, #tpu.memory_space<vmem>>) semaphore(%arg11 : memref<!tpu.dma_semaphore, #tpu.memory_space<semaphore_mem>>)
        %scan3A_316 = arith.constant 0 : i32
        scf.yield %scan3A_316 : i32
      }
      %scan3A_136 = arith.constant 78 : i32
      %dma_wait3A_137 = arith.constant 0 : i32
      %dma_wait3A_138 = arith.constant 0 : i32
      %dma_wait3A_139 = tpu.memref_slice %arg7[%dma_wait3A_137, %dma_wait3A_138] : memref<2x128xi32, #tpu.memory_space<vmem>> -> memref<1x128xi32, #tpu.memory_space<vmem>>
      %dma_wait3A_140 = tpu.memref_squeeze %dma_wait3A_139 : memref<1x128xi32, #tpu.memory_space<vmem>> -> memref<128xi32, #tpu.memory_space<vmem>>
      %dma_wait3A_141 = arith.constant 0 : i32
      %dma_wait3A_142 = arith.constant 0 : i32
      %dma_wait3A_143 = tpu.memref_slice %arg10[%dma_wait3A_141, %dma_wait3A_142] : memref<10240x144xf32, #tpu.memory_space<vmem_shared>> -> memref<10240x144xf32, #tpu.memory_space<vmem_shared>>
      tpu.wait_indirect_dma semaphore(%arg14 : memref<!tpu.dma_semaphore, #tpu.memory_space<semaphore_mem>>) src(%arg9 : memref<128x144xf32, #tpu.memory_space<vmem>>) dst(%dma_wait3A_143 : memref<10240x144xf32, #tpu.memory_space<vmem_shared>>)
      %dma_start3A_144 = arith.constant 159 : i32
      %dma_start3A_145 = arith.constant 0 : i32
      %dma_start3A_146 = arith.constant 0 : i32
      %dma_start3A_147 = tpu.memref_slice %arg3[%arg1, %dma_start3A_144, %dma_start3A_145, %dma_start3A_146] : memref<16x160x2x128xi32, #tpu.memory_space<hbm>> -> memref<1x1x2x128xi32, #tpu.memory_space<hbm>>
      %dma_start3A_148 = tpu.memref_squeeze %dma_start3A_147 : memref<1x1x2x128xi32, #tpu.memory_space<hbm>> -> memref<2x128xi32, #tpu.memory_space<hbm>>
      %dma_start3A_149 = arith.constant 0 : i32
      %dma_start3A_150 = arith.constant 0 : i32
      %dma_start3A_151 = tpu.memref_slice %arg3[%arg1, %dma_start3A_144, %dma_start3A_149, %dma_start3A_150] : memref<16x160x2x128xi32, #tpu.memory_space<hbm>> -> memref<1x1x2x128xi32, #tpu.memory_space<hbm>>
      %dma_start3A_152 = tpu.memref_squeeze %dma_start3A_151 : memref<1x1x2x128xi32, #tpu.memory_space<hbm>> -> memref<2x128xi32, #tpu.memory_space<hbm>>
      tpu.enqueue_dma source(%dma_start3A_152 : memref<2x128xi32, #tpu.memory_space<hbm>>) target(%arg7 : memref<2x128xi32, #tpu.memory_space<vmem>>) target_semaphore(%arg16 : memref<!tpu.dma_semaphore, #tpu.memory_space<semaphore_mem>>)
      %dma_wait3A_153 = arith.constant 1 : i32
      %dma_wait3A_154 = arith.constant 0 : i32
      %dma_wait3A_155 = tpu.memref_slice %arg6[%dma_wait3A_153, %dma_wait3A_154] : memref<2x128xi32, #tpu.memory_space<vmem>> -> memref<1x128xi32, #tpu.memory_space<vmem>>
      %dma_wait3A_156 = tpu.memref_squeeze %dma_wait3A_155 : memref<1x128xi32, #tpu.memory_space<vmem>> -> memref<128xi32, #tpu.memory_space<vmem>>
      %dma_wait3A_157 = arith.constant 0 : i32
      %dma_wait3A_158 = arith.constant 0 : i32
      %dma_wait3A_159 = tpu.memref_slice %arg2[%dma_wait3A_157, %dma_wait3A_158] : memref<10240x144xf32, #tpu.memory_space<hbm>> -> memref<10240x144xf32, #tpu.memory_space<hbm>>
      tpu.wait_indirect_dma semaphore(%arg11 : memref<!tpu.dma_semaphore, #tpu.memory_space<semaphore_mem>>) src(%dma_wait3A_159 : memref<10240x144xf32, #tpu.memory_space<hbm>>) dst(%arg8 : memref<128x144xf32, #tpu.memory_space<vmem>>)
      %dma_start3A_160 = arith.constant 0 : i32
      %dma_start3A_161 = arith.constant 0 : i32
      %dma_start3A_162 = tpu.memref_slice %arg6[%dma_start3A_160, %dma_start3A_161] : memref<2x128xi32, #tpu.memory_space<vmem>> -> memref<1x128xi32, #tpu.memory_space<vmem>>
      %dma_start3A_163 = tpu.memref_squeeze %dma_start3A_162 : memref<1x128xi32, #tpu.memory_space<vmem>> -> memref<128xi32, #tpu.memory_space<vmem>>
      %dma_start3A_164 = arith.constant 0 : i32
      %dma_start3A_165 = arith.constant 0 : i32
      %dma_start3A_166 = tpu.memref_slice %arg10[%dma_start3A_164, %dma_start3A_165] : memref<10240x144xf32, #tpu.memory_space<vmem_shared>> -> memref<10240x144xf32, #tpu.memory_space<vmem_shared>>
      tpu.enqueue_indirect_dma source(%arg8 : memref<128x144xf32, #tpu.memory_space<vmem>>) target(%dma_start3A_166 : memref<10240x144xf32, #tpu.memory_space<vmem_shared>>) offsets(%dma_start3A_163 : memref<128xi32, #tpu.memory_space<vmem>>) semaphore(%arg13 : memref<!tpu.dma_semaphore, #tpu.memory_space<semaphore_mem>>) {add = true}
      %dma_wait3A_167 = arith.constant 0 : i32
      %dma_wait3A_168 = arith.constant 0 : i32
      %dma_wait3A_169 = arith.constant 0 : i32
      %dma_wait3A_170 = tpu.memref_slice %arg3[%arg1, %dma_wait3A_167, %dma_wait3A_168, %dma_wait3A_169] : memref<16x160x2x128xi32, #tpu.memory_space<hbm>> -> memref<1x1x2x128xi32, #tpu.memory_space<hbm>>
      %dma_wait3A_171 = tpu.memref_squeeze %dma_wait3A_170 : memref<1x1x2x128xi32, #tpu.memory_space<hbm>> -> memref<2x128xi32, #tpu.memory_space<hbm>>
      %dma_wait3A_172 = arith.constant 0 : i32
      %dma_wait3A_173 = arith.constant 0 : i32
      %dma_wait3A_174 = tpu.memref_slice %arg3[%arg1, %dma_wait3A_167, %dma_wait3A_172, %dma_wait3A_173] : memref<16x160x2x128xi32, #tpu.memory_space<hbm>> -> memref<1x1x2x128xi32, #tpu.memory_space<hbm>>
      %dma_wait3A_175 = tpu.memref_squeeze %dma_wait3A_174 : memref<1x1x2x128xi32, #tpu.memory_space<hbm>> -> memref<2x128xi32, #tpu.memory_space<hbm>>
      tpu.wait_dma2 semaphore(%arg16 : memref<!tpu.dma_semaphore, #tpu.memory_space<semaphore_mem>>) src(%dma_wait3A_175 : memref<2x128xi32, #tpu.memory_space<hbm>>) dst(%arg7 : memref<2x128xi32, #tpu.memory_space<vmem>>)
      %dma_start3A_176 = arith.constant 1 : i32
      %dma_start3A_177 = arith.constant 0 : i32
      %dma_start3A_178 = tpu.memref_slice %arg7[%dma_start3A_176, %dma_start3A_177] : memref<2x128xi32, #tpu.memory_space<vmem>> -> memref<1x128xi32, #tpu.memory_space<vmem>>
      %dma_start3A_179 = tpu.memref_squeeze %dma_start3A_178 : memref<1x128xi32, #tpu.memory_space<vmem>> -> memref<128xi32, #tpu.memory_space<vmem>>
      %dma_start3A_180 = arith.constant 0 : i32
      %dma_start3A_181 = arith.constant 0 : i32
      %dma_start3A_182 = tpu.memref_slice %arg2[%dma_start3A_180, %dma_start3A_181] : memref<10240x144xf32, #tpu.memory_space<hbm>> -> memref<10240x144xf32, #tpu.memory_space<hbm>>
      tpu.enqueue_indirect_dma source(%dma_start3A_182 : memref<10240x144xf32, #tpu.memory_space<hbm>>) target(%arg9 : memref<128x144xf32, #tpu.memory_space<vmem>>) offsets(%dma_start3A_179 : memref<128xi32, #tpu.memory_space<vmem>>) semaphore(%arg12 : memref<!tpu.dma_semaphore, #tpu.memory_space<semaphore_mem>>)
      %dma_wait3A_183 = arith.constant 0 : i32
      %dma_wait3A_184 = arith.constant 0 : i32
      %dma_wait3A_185 = tpu.memref_slice %arg6[%dma_wait3A_183, %dma_wait3A_184] : memref<2x128xi32, #tpu.memory_space<vmem>> -> memref<1x128xi32, #tpu.memory_space<vmem>>
      %dma_wait3A_186 = tpu.memref_squeeze %dma_wait3A_185 : memref<1x128xi32, #tpu.memory_space<vmem>> -> memref<128xi32, #tpu.memory_space<vmem>>
      %dma_wait3A_187 = arith.constant 0 : i32
      %dma_wait3A_188 = arith.constant 0 : i32
      %dma_wait3A_189 = tpu.memref_slice %arg10[%dma_wait3A_187, %dma_wait3A_188] : memref<10240x144xf32, #tpu.memory_space<vmem_shared>> -> memref<10240x144xf32, #tpu.memory_space<vmem_shared>>
      tpu.wait_indirect_dma semaphore(%arg13 : memref<!tpu.dma_semaphore, #tpu.memory_space<semaphore_mem>>) src(%arg8 : memref<128x144xf32, #tpu.memory_space<vmem>>) dst(%dma_wait3A_189 : memref<10240x144xf32, #tpu.memory_space<vmem_shared>>)
      %dma_wait3A_190 = arith.constant 1 : i32
      %dma_wait3A_191 = arith.constant 0 : i32
      %dma_wait3A_192 = tpu.memref_slice %arg7[%dma_wait3A_190, %dma_wait3A_191] : memref<2x128xi32, #tpu.memory_space<vmem>> -> memref<1x128xi32, #tpu.memory_space<vmem>>
      %dma_wait3A_193 = tpu.memref_squeeze %dma_wait3A_192 : memref<1x128xi32, #tpu.memory_space<vmem>> -> memref<128xi32, #tpu.memory_space<vmem>>
      %dma_wait3A_194 = arith.constant 0 : i32
      %dma_wait3A_195 = arith.constant 0 : i32
      %dma_wait3A_196 = tpu.memref_slice %arg2[%dma_wait3A_194, %dma_wait3A_195] : memref<10240x144xf32, #tpu.memory_space<hbm>> -> memref<10240x144xf32, #tpu.memory_space<hbm>>
      tpu.wait_indirect_dma semaphore(%arg12 : memref<!tpu.dma_semaphore, #tpu.memory_space<semaphore_mem>>) src(%dma_wait3A_196 : memref<10240x144xf32, #tpu.memory_space<hbm>>) dst(%arg9 : memref<128x144xf32, #tpu.memory_space<vmem>>)
      %dma_start3A_197 = arith.constant 0 : i32
      %dma_start3A_198 = arith.constant 0 : i32
      %dma_start3A_199 = tpu.memref_slice %arg7[%dma_start3A_197, %dma_start3A_198] : memref<2x128xi32, #tpu.memory_space<vmem>> -> memref<1x128xi32, #tpu.memory_space<vmem>>
      %dma_start3A_200 = tpu.memref_squeeze %dma_start3A_199 : memref<1x128xi32, #tpu.memory_space<vmem>> -> memref<128xi32, #tpu.memory_space<vmem>>
      %dma_start3A_201 = arith.constant 0 : i32
      %dma_start3A_202 = arith.constant 0 : i32
      %dma_start3A_203 = tpu.memref_slice %arg10[%dma_start3A_201, %dma_start3A_202] : memref<10240x144xf32, #tpu.memory_space<vmem_shared>> -> memref<10240x144xf32, #tpu.memory_space<vmem_shared>>
      tpu.enqueue_indirect_dma source(%arg9 : memref<128x144xf32, #tpu.memory_space<vmem>>) target(%dma_start3A_203 : memref<10240x144xf32, #tpu.memory_space<vmem_shared>>) offsets(%dma_start3A_200 : memref<128xi32, #tpu.memory_space<vmem>>) semaphore(%arg14 : memref<!tpu.dma_semaphore, #tpu.memory_space<semaphore_mem>>) {add = true}
      %dma_wait3A_204 = arith.constant 0 : i32
      %dma_wait3A_205 = arith.constant 0 : i32
      %dma_wait3A_206 = tpu.memref_slice %arg7[%dma_wait3A_204, %dma_wait3A_205] : memref<2x128xi32, #tpu.memory_space<vmem>> -> memref<1x128xi32, #tpu.memory_space<vmem>>
      %dma_wait3A_207 = tpu.memref_squeeze %dma_wait3A_206 : memref<1x128xi32, #tpu.memory_space<vmem>> -> memref<128xi32, #tpu.memory_space<vmem>>
      %dma_wait3A_208 = arith.constant 0 : i32
      %dma_wait3A_209 = arith.constant 0 : i32
      %dma_wait3A_210 = tpu.memref_slice %arg10[%dma_wait3A_208, %dma_wait3A_209] : memref<10240x144xf32, #tpu.memory_space<vmem_shared>> -> memref<10240x144xf32, #tpu.memory_space<vmem_shared>>
      tpu.wait_indirect_dma semaphore(%arg14 : memref<!tpu.dma_semaphore, #tpu.memory_space<semaphore_mem>>) src(%arg9 : memref<128x144xf32, #tpu.memory_space<vmem>>) dst(%dma_wait3A_210 : memref<10240x144xf32, #tpu.memory_space<vmem_shared>>)
      %barrier3A_211 = arith.constant 0 : index
      tpu.barrier barrier_id(%barrier3A_211)
      %scan3A_212 = arith.constant 0 : i32
      %scan3A_213 = arith.constant 0 : i32
      %scan3A_214 = arith.constant 5 : i32
      %scan3A_215 = arith.addi %scan3A_213, %scan3A_214 : i32
      %scan3A_216 = arith.constant 1 : i32
      %scan3A_217 = scf.for %scan3A_219 = %scan3A_213 to %scan3A_215 step %scan3A_216 iter_args(%scan3A_220 = %scan3A_212) -> (i32)  : i32 {
        %mul3A_221 = arith.constant 128 : i32
        %mul3A_222 = arith.muli %scan3A_219, %mul3A_221 : i32
        %add3A = arith.addi %mul3A_0, %mul3A_222 : i32
        "tpu.region"() ({
          %run_scoped3A = tpu.sem_alloc : memref<!tpu.dma_semaphore, #tpu.memory_space<semaphore_mem>>
          %dma_start3A_224 = arith.constant 0 : i32
          %dma_start3A_225 = tpu.memref_slice %arg5[%add3A, %dma_start3A_224] : memref<10240x144xf32, #tpu.memory_space<hbm>> -> memref<128x144xf32, #tpu.memory_space<hbm>>
          %dma_start3A_226 = arith.constant 0 : i32
          %dma_start3A_227 = tpu.memref_slice %arg10[%add3A, %dma_start3A_226] : memref<10240x144xf32, #tpu.memory_space<vmem_shared>> -> memref<128x144xf32, #tpu.memory_space<vmem_shared>>
          tpu.enqueue_dma source(%dma_start3A_227 : memref<128x144xf32, #tpu.memory_space<vmem_shared>>) target(%dma_start3A_225 : memref<128x144xf32, #tpu.memory_space<hbm>>) target_semaphore(%run_scoped3A : memref<!tpu.dma_semaphore, #tpu.memory_space<semaphore_mem>>)
          %dma_wait3A_228 = arith.constant 0 : i32
          %dma_wait3A_229 = tpu.memref_slice %arg5[%add3A, %dma_wait3A_228] : memref<10240x144xf32, #tpu.memory_space<hbm>> -> memref<128x144xf32, #tpu.memory_space<hbm>>
          %dma_wait3A_230 = arith.constant 0 : i32
          %dma_wait3A_231 = tpu.memref_slice %arg10[%add3A, %dma_wait3A_230] : memref<10240x144xf32, #tpu.memory_space<vmem_shared>> -> memref<128x144xf32, #tpu.memory_space<vmem_shared>>
          tpu.wait_dma2 semaphore(%run_scoped3A : memref<!tpu.dma_semaphore, #tpu.memory_space<semaphore_mem>>) src(%dma_wait3A_231 : memref<128x144xf32, #tpu.memory_space<vmem_shared>>) dst(%dma_wait3A_229 : memref<128x144xf32, #tpu.memory_space<hbm>>)
          tpu.yield
        }) : () -> ()
        %scan3A_223 = arith.constant 0 : i32
        scf.yield %scan3A_223 : i32
      }
      %scan3A_218 = arith.constant 5 : i32
    } else {
    }
    return
  }
}

module attributes {stable_mosaic.version = 14 : i64} {
  func.func @_tc_body(%arg0: i32, %arg1: memref<1024x144xf32, #tpu.memory_space<vmem>>, %arg2: memref<1024x144xf32, #tpu.memory_space<vmem>>, %arg3: memref<1024x144xf32, #tpu.memory_space<vmem>>, %arg4: memref<128x128xf32, #tpu.memory_space<vmem>>, %arg5: memref<1x128xf32, #tpu.memory_space<vmem>>, %arg6: memref<128x128xf32, #tpu.memory_space<vmem>>, %arg7: memref<1x128xf32, #tpu.memory_space<vmem>>, %arg8: memref<384x256xf32, #tpu.memory_space<vmem>>, %arg9: memref<384x128xf32, #tpu.memory_space<vmem>>, %arg10: memref<1x384xf32, #tpu.memory_space<vmem>>, %arg11: memref<1x384xf32, #tpu.memory_space<vmem>>, %arg12: memref<1024x128xf32, #tpu.memory_space<vmem>>) attributes {dimension_semantics = [#tpu.dimension_semantics<arbitrary>], iteration_bounds = array<i64: 10>, scalar_prefetch = 0 : i64, scratch_operands = 0 : i64, tpu.core_type = #tpu.core_type<tc>, window_params = [{transform_indices = @transform_0, window_bounds = array<i64: 1024, 144>}, {transform_indices = @transform_1, window_bounds = array<i64: 1024, 144>}, {transform_indices = @transform_2, window_bounds = array<i64: 1024, 144>}, {pipeline_mode = #tpu.pipeline_mode<synchronous>, transform_indices = @transform_3, window_bounds = array<i64: 128, 128>}, {pipeline_mode = #tpu.pipeline_mode<synchronous>, transform_indices = @transform_4, window_bounds = array<i64: 1, 128>}, {pipeline_mode = #tpu.pipeline_mode<synchronous>, transform_indices = @transform_5, window_bounds = array<i64: 128, 128>}, {pipeline_mode = #tpu.pipeline_mode<synchronous>, transform_indices = @transform_6, window_bounds = array<i64: 1, 128>}, {pipeline_mode = #tpu.pipeline_mode<synchronous>, transform_indices = @transform_7, window_bounds = array<i64: 384, 256>}, {pipeline_mode = #tpu.pipeline_mode<synchronous>, transform_indices = @transform_8, window_bounds = array<i64: 384, 128>}, {pipeline_mode = #tpu.pipeline_mode<synchronous>, transform_indices = @transform_9, window_bounds = array<i64: 1, 384>}, {pipeline_mode = #tpu.pipeline_mode<synchronous>, transform_indices = @transform_10, window_bounds = array<i64: 1, 384>}, {transform_indices = @transform_11, window_bounds = array<i64: 1024, 128>}]} {
    %get3A = arith.constant 0 : index
    %get3A_0 = arith.constant 0 : index
    %get3A_1 = vector.load %arg1[%get3A, %get3A_0] : memref<1024x144xf32, #tpu.memory_space<vmem>>, vector<1024x144xf32>
    %slice3A = vector.extract_strided_slice %get3A_1 {offsets = [0, 0], sizes = [1024, 128], strides = [1, 1]} : vector<1024x144xf32> to vector<1024x128xf32>
    %get3A_2 = arith.constant 0 : index
    %get3A_3 = arith.constant 0 : index
    %get3A_4 = vector.load %arg2[%get3A_2, %get3A_3] : memref<1024x144xf32, #tpu.memory_space<vmem>>, vector<1024x144xf32>
    %get3A_5 = arith.constant 0 : index
    %get3A_6 = arith.constant 0 : index
    %get3A_7 = vector.load %arg3[%get3A_5, %get3A_6] : memref<1024x144xf32, #tpu.memory_space<vmem>>, vector<1024x144xf32>
    %slice3A_8 = vector.extract_strided_slice %get3A_4 {offsets = [0, 128], sizes = [1024, 1], strides = [1, 1]} : vector<1024x144xf32> to vector<1024x1xf32>
    %slice3A_9 = vector.extract_strided_slice %get3A_7 {offsets = [0, 128], sizes = [1024, 1], strides = [1, 1]} : vector<1024x144xf32> to vector<1024x1xf32>
    %slice3A_10 = vector.extract_strided_slice %get3A_4 {offsets = [0, 0], sizes = [1024, 128], strides = [1, 1]} : vector<1024x144xf32> to vector<1024x128xf32>
    %max3A = arith.constant 1.000000e+00 : f32
    %max3A_11 = vector.broadcast %max3A : f32 to vector<1024x1xf32>
    %max3A_12 = arith.maximumf %slice3A_8, %max3A_11 : vector<1024x1xf32>
    %div3A = vector.broadcast %max3A_12 : vector<1024x1xf32> to vector<1024x128xf32>
    %div3A_13 = arith.divf %slice3A_10, %div3A : vector<1024x128xf32>
    %slice3A_14 = vector.extract_strided_slice %get3A_7 {offsets = [0, 0], sizes = [1024, 128], strides = [1, 1]} : vector<1024x144xf32> to vector<1024x128xf32>
    %max3A_15 = arith.constant 1.000000e+00 : f32
    %max3A_16 = vector.broadcast %max3A_15 : f32 to vector<1024x1xf32>
    %max3A_17 = arith.maximumf %slice3A_9, %max3A_16 : vector<1024x1xf32>
    %div3A_18 = vector.broadcast %max3A_17 : vector<1024x1xf32> to vector<1024x128xf32>
    %div3A_19 = arith.divf %slice3A_14, %div3A_18 : vector<1024x128xf32>
    %min3A = arith.constant 1.000000e+00 : f32
    %min3A_20 = vector.broadcast %min3A : f32 to vector<1024x1xf32>
    %min3A_21 = arith.minimumf %slice3A_8, %min3A_20 : vector<1024x1xf32>
    %min3A_22 = arith.constant 1.000000e+00 : f32
    %min3A_23 = vector.broadcast %min3A_22 : f32 to vector<1024x1xf32>
    %min3A_24 = arith.minimumf %slice3A_9, %min3A_23 : vector<1024x1xf32>
    %get3A_25 = arith.constant 0 : index
    %get3A_26 = arith.constant 0 : index
    %get3A_27 = vector.load %arg4[%get3A_25, %get3A_26] : memref<128x128xf32, #tpu.memory_space<vmem>>, vector<128x128xf32>
    %dot_general3A = arith.constant dense<0.000000e+00> : vector<1024x128xf32>
    %dot_general3A_28 = tpu.matmul %div3A_13, %get3A_27, %dot_general3A {dimension_numbers = #tpu.dot_dimension_numbers<[1], [1], [0], [0], [0, 0, 1, 0], [], []>, transpose_lhs_hint = false} : vector<1024x128xf32>, vector<128x128xf32>, vector<1024x128xf32> -> vector<1024x128xf32>
    %get3A_29 = arith.constant 0 : index
    %get3A_30 = arith.constant 0 : index
    %get3A_31 = vector.load %arg5[%get3A_29, %get3A_30] : memref<1x128xf32, #tpu.memory_space<vmem>>, vector<1x128xf32>
    %mul3A = vector.broadcast %min3A_21 : vector<1024x1xf32> to vector<1024x128xf32>
    %mul3A_32 = vector.broadcast %get3A_31 : vector<1x128xf32> to vector<1024x128xf32>
    %mul3A_33 = arith.mulf %mul3A, %mul3A_32 : vector<1024x128xf32>
    %add3A = arith.addf %dot_general3A_28, %mul3A_33 : vector<1024x128xf32>
    %get3A_34 = arith.constant 0 : index
    %get3A_35 = arith.constant 0 : index
    %get3A_36 = vector.load %arg6[%get3A_34, %get3A_35] : memref<128x128xf32, #tpu.memory_space<vmem>>, vector<128x128xf32>
    %dot_general3A_37 = arith.constant dense<0.000000e+00> : vector<1024x128xf32>
    %dot_general3A_38 = tpu.matmul %div3A_19, %get3A_36, %dot_general3A_37 {dimension_numbers = #tpu.dot_dimension_numbers<[1], [1], [0], [0], [0, 0, 1, 0], [], []>, transpose_lhs_hint = false} : vector<1024x128xf32>, vector<128x128xf32>, vector<1024x128xf32> -> vector<1024x128xf32>
    %get3A_39 = arith.constant 0 : index
    %get3A_40 = arith.constant 0 : index
    %get3A_41 = vector.load %arg7[%get3A_39, %get3A_40] : memref<1x128xf32, #tpu.memory_space<vmem>>, vector<1x128xf32>
    %mul3A_42 = vector.broadcast %min3A_24 : vector<1024x1xf32> to vector<1024x128xf32>
    %mul3A_43 = vector.broadcast %get3A_41 : vector<1x128xf32> to vector<1024x128xf32>
    %mul3A_44 = arith.mulf %mul3A_42, %mul3A_43 : vector<1024x128xf32>
    %add3A_45 = arith.addf %dot_general3A_38, %mul3A_44 : vector<1024x128xf32>
    %get3A_46 = arith.constant 0 : index
    %get3A_47 = arith.constant 0 : index
    %get3A_48 = vector.load %arg8[%get3A_46, %get3A_47] : memref<384x256xf32, #tpu.memory_space<vmem>>, vector<384x256xf32>
    %slice3A_49 = vector.extract_strided_slice %get3A_48 {offsets = [0, 0], sizes = [384, 128], strides = [1, 1]} : vector<384x256xf32> to vector<384x128xf32>
    %dot_general3A_50 = arith.constant dense<0.000000e+00> : vector<1024x384xf32>
    %dot_general3A_51 = tpu.matmul %add3A, %slice3A_49, %dot_general3A_50 {dimension_numbers = #tpu.dot_dimension_numbers<[1], [1], [0], [0], [0, 0, 1, 0], [], []>, transpose_lhs_hint = false} : vector<1024x128xf32>, vector<384x128xf32>, vector<1024x384xf32> -> vector<1024x384xf32>
    %slice3A_52 = vector.extract_strided_slice %get3A_48 {offsets = [0, 128], sizes = [384, 128], strides = [1, 1]} : vector<384x256xf32> to vector<384x128xf32>
    %dot_general3A_53 = arith.constant dense<0.000000e+00> : vector<1024x384xf32>
    %dot_general3A_54 = tpu.matmul %add3A_45, %slice3A_52, %dot_general3A_53 {dimension_numbers = #tpu.dot_dimension_numbers<[1], [1], [0], [0], [0, 0, 1, 0], [], []>, transpose_lhs_hint = false} : vector<1024x128xf32>, vector<384x128xf32>, vector<1024x384xf32> -> vector<1024x384xf32>
    %add3A_55 = arith.addf %dot_general3A_51, %dot_general3A_54 : vector<1024x384xf32>
    %get3A_56 = arith.constant 0 : index
    %get3A_57 = arith.constant 0 : index
    %get3A_58 = vector.load %arg10[%get3A_56, %get3A_57] : memref<1x384xf32, #tpu.memory_space<vmem>>, vector<1x384xf32>
    %add3A_59 = vector.broadcast %get3A_58 : vector<1x384xf32> to vector<1024x384xf32>
    %add3A_60 = arith.addf %add3A_55, %add3A_59 : vector<1024x384xf32>
    %get3A_61 = arith.constant 0 : index
    %get3A_62 = arith.constant 0 : index
    %get3A_63 = vector.load %arg9[%get3A_61, %get3A_62] : memref<384x128xf32, #tpu.memory_space<vmem>>, vector<384x128xf32>
    %dot_general3A_64 = arith.constant dense<0.000000e+00> : vector<1024x384xf32>
    %dot_general3A_65 = tpu.matmul %slice3A, %get3A_63, %dot_general3A_64 {dimension_numbers = #tpu.dot_dimension_numbers<[1], [1], [0], [0], [0, 0, 1, 0], [], []>, transpose_lhs_hint = false} : vector<1024x128xf32>, vector<384x128xf32>, vector<1024x384xf32> -> vector<1024x384xf32>
    %get3A_66 = arith.constant 0 : index
    %get3A_67 = arith.constant 0 : index
    %get3A_68 = vector.load %arg11[%get3A_66, %get3A_67] : memref<1x384xf32, #tpu.memory_space<vmem>>, vector<1x384xf32>
    %add3A_69 = vector.broadcast %get3A_68 : vector<1x384xf32> to vector<1024x384xf32>
    %add3A_70 = arith.addf %dot_general3A_65, %add3A_69 : vector<1024x384xf32>
    %slice3A_71 = vector.extract_strided_slice %add3A_60 {offsets = [0, 0], sizes = [1024, 128], strides = [1, 1]} : vector<1024x384xf32> to vector<1024x128xf32>
    %slice3A_72 = vector.extract_strided_slice %add3A_70 {offsets = [0, 0], sizes = [1024, 128], strides = [1, 1]} : vector<1024x384xf32> to vector<1024x128xf32>
    %add3A_73 = arith.addf %slice3A_71, %slice3A_72 : vector<1024x128xf32>
    %logistic3A = arith.negf %add3A_73 : vector<1024x128xf32>
    %logistic3A_74 = math.exp %logistic3A : vector<1024x128xf32>
    %logistic3A_75 = arith.constant 1.000000e+00 : f32
    %logistic3A_76 = vector.broadcast %logistic3A_75 : f32 to vector<1024x128xf32>
    %logistic3A_77 = arith.addf %logistic3A_76, %logistic3A_74 : vector<1024x128xf32>
    %logistic3A_78 = arith.divf %logistic3A_76, %logistic3A_77 : vector<1024x128xf32>
    %slice3A_79 = vector.extract_strided_slice %add3A_60 {offsets = [0, 128], sizes = [1024, 128], strides = [1, 1]} : vector<1024x384xf32> to vector<1024x128xf32>
    %slice3A_80 = vector.extract_strided_slice %add3A_70 {offsets = [0, 128], sizes = [1024, 128], strides = [1, 1]} : vector<1024x384xf32> to vector<1024x128xf32>
    %add3A_81 = arith.addf %slice3A_79, %slice3A_80 : vector<1024x128xf32>
    %logistic3A_82 = arith.negf %add3A_81 : vector<1024x128xf32>
    %logistic3A_83 = math.exp %logistic3A_82 : vector<1024x128xf32>
    %logistic3A_84 = arith.constant 1.000000e+00 : f32
    %logistic3A_85 = vector.broadcast %logistic3A_84 : f32 to vector<1024x128xf32>
    %logistic3A_86 = arith.addf %logistic3A_85, %logistic3A_83 : vector<1024x128xf32>
    %logistic3A_87 = arith.divf %logistic3A_85, %logistic3A_86 : vector<1024x128xf32>
    %slice3A_88 = vector.extract_strided_slice %add3A_60 {offsets = [0, 256], sizes = [1024, 128], strides = [1, 1]} : vector<1024x384xf32> to vector<1024x128xf32>
    %slice3A_89 = vector.extract_strided_slice %add3A_70 {offsets = [0, 256], sizes = [1024, 128], strides = [1, 1]} : vector<1024x384xf32> to vector<1024x128xf32>
    %mul3A_90 = arith.mulf %logistic3A_78, %slice3A_89 : vector<1024x128xf32>
    %add3A_91 = arith.addf %slice3A_88, %mul3A_90 : vector<1024x128xf32>
    %tanh3A = math.tanh %add3A_91 : vector<1024x128xf32>
    %sub3A = arith.constant 1.000000e+00 : f32
    %sub3A_92 = vector.broadcast %sub3A : f32 to vector<1024x128xf32>
    %sub3A_93 = arith.subf %sub3A_92, %logistic3A_87 : vector<1024x128xf32>
    %mul3A_94 = arith.mulf %sub3A_93, %tanh3A : vector<1024x128xf32>
    %mul3A_95 = arith.mulf %logistic3A_87, %slice3A : vector<1024x128xf32>
    %add3A_96 = arith.addf %mul3A_94, %mul3A_95 : vector<1024x128xf32>
    %swap3A = arith.constant 0 : index
    %swap3A_97 = arith.constant 0 : index
    %swap3A_98 = vector.load %arg12[%swap3A, %swap3A_97] : memref<1024x128xf32, #tpu.memory_space<vmem>>, vector<1024x128xf32>
    tpu.vector_store %arg12[%swap3A, %swap3A_97], %add3A_96 {strides = array<i32>} : memref<1024x128xf32, #tpu.memory_space<vmem>>, vector<1024x128xf32>,
    return
  }
  func.func @transform_0(%arg0: i32) -> (i32, i32) {
    %c0_i32 = arith.constant 0 : i32
    %c0_i32_0 = arith.constant 0 : i32
    return %arg0, %c0_i32 : i32, i32
  }
  func.func @transform_1(%arg0: i32) -> (i32, i32) {
    %c0_i32 = arith.constant 0 : i32
    %c0_i32_0 = arith.constant 0 : i32
    return %arg0, %c0_i32 : i32, i32
  }
  func.func @transform_2(%arg0: i32) -> (i32, i32) {
    %c0_i32 = arith.constant 0 : i32
    %c0_i32_0 = arith.constant 0 : i32
    return %arg0, %c0_i32 : i32, i32
  }
  func.func @transform_3(%arg0: i32) -> (i32, i32) {
    %c0_i32 = arith.constant 0 : i32
    %c0_i32_0 = arith.constant 0 : i32
    %c0_i32_1 = arith.constant 0 : i32
    return %c0_i32, %c0_i32_0 : i32, i32
  }
  func.func @transform_4(%arg0: i32) -> (i32, i32) {
    %c0_i32 = arith.constant 0 : i32
    %c0_i32_0 = arith.constant 0 : i32
    %c0_i32_1 = arith.constant 0 : i32
    return %c0_i32, %c0_i32_0 : i32, i32
  }
  func.func @transform_5(%arg0: i32) -> (i32, i32) {
    %c0_i32 = arith.constant 0 : i32
    %c0_i32_0 = arith.constant 0 : i32
    %c0_i32_1 = arith.constant 0 : i32
    return %c0_i32, %c0_i32_0 : i32, i32
  }
  func.func @transform_6(%arg0: i32) -> (i32, i32) {
    %c0_i32 = arith.constant 0 : i32
    %c0_i32_0 = arith.constant 0 : i32
    %c0_i32_1 = arith.constant 0 : i32
    return %c0_i32, %c0_i32_0 : i32, i32
  }
  func.func @transform_7(%arg0: i32) -> (i32, i32) {
    %c0_i32 = arith.constant 0 : i32
    %c0_i32_0 = arith.constant 0 : i32
    %c0_i32_1 = arith.constant 0 : i32
    return %c0_i32, %c0_i32_0 : i32, i32
  }
  func.func @transform_8(%arg0: i32) -> (i32, i32) {
    %c0_i32 = arith.constant 0 : i32
    %c0_i32_0 = arith.constant 0 : i32
    %c0_i32_1 = arith.constant 0 : i32
    return %c0_i32, %c0_i32_0 : i32, i32
  }
  func.func @transform_9(%arg0: i32) -> (i32, i32) {
    %c0_i32 = arith.constant 0 : i32
    %c0_i32_0 = arith.constant 0 : i32
    %c0_i32_1 = arith.constant 0 : i32
    return %c0_i32, %c0_i32_0 : i32, i32
  }
  func.func @transform_10(%arg0: i32) -> (i32, i32) {
    %c0_i32 = arith.constant 0 : i32
    %c0_i32_0 = arith.constant 0 : i32
    %c0_i32_1 = arith.constant 0 : i32
    return %c0_i32, %c0_i32_0 : i32, i32
  }
  func.func @transform_11(%arg0: i32) -> (i32, i32) {
    %c0_i32 = arith.constant 0 : i32
    %c0_i32_0 = arith.constant 0 : i32
    return %arg0, %c0_i32 : i32, i32
  }
}

</mosaic_0001>

<sc_bundles>
// kernel: kernel.4.cloned.1.call-start
scs
__scs_entry_jumppad:
0x0: {  	(pc) =	sbr.rel $0x88, $3  }
0x1: {  	(tag) =	ssettag $0x0;
	lr =	simm.s32 $0x1  }
0x2: {  	[smem:$0x3F97] =	sst lr;
	_ =	strace $0xD0000000  }
0x3: {  	_ = 	snop  }
0x4: {  	_ = 	snop  }
0x5: {  	_ = 	snop  }
0x6: {  	_ = 	snop  }
0x7: {  	_ = 	snop  }
__scs_overlays_trampoline_lowered:
0x8: {  	[smem:$0x3FA6] =	sst s0  }
0x9: {  	[smem:$0x3FA7] =	sst s1  }
0xa: {  	[smem:$0x3FA8] =	sst s2  }
0xb: {  	[smem:$0x3FA9] =	sst s3  }
0xc: {  	[smem:$0x3FAA] =	sst s4  }
0xd: {  	[smem:$0x3FAB] =	sst s5  }
0xe: {  	[smem:$0x3FAC] =	sst s6  }
0xf: {  	[smem:$0x3FAD] =	sst s7  }
0x10: {  	[smem:$0x3FAE] =	sst s8  }
0x11: {  	[smem:$0x3FAF] =	sst s9;
	s0 =	simm.s32 @!p0 $0x0  }
0x12: {  	s1 =	sld [smem:$0x3F95];
	s0 =	simm.s32 @p0 $0x1  }
0x13: {  	[smem:$0x3FB0] =	sst s0;
	s0 =	simm.s32 @!p1 $0x0  }
0x14: {  	s2 =	sld [smem:$0x3F94];
	s0 =	simm.s32 @p1 $0x1  }
0x15: {  	[smem:$0x3FB1] =	sst s0;
	s0 =	simm.s32 @!p2 $0x0  }
0x16: {  	s3 =	sld [smem:$0x3FDB];
	s0 =	simm.s32 @p2 $0x1  }
0x17: {  	s4 =	simm.s32 $0x1BF5;
	[smem:$0x3FB3] =	sst s0  }
0x18: {  	s0 =	sld [smem:$0x3F96];
	_ =	swait.ge [sflag:s4], $0x0  }
0x19: {  	s7 =	sld [smem:$0x3F97]  }
0x1a: {  	s8 =	sadd.s32 $0xFFFFE003, lr  }
0x1b: {  	s9 =	sadd.s32 $0xFFFFFEF7, lr;
	s5 =	simm.s32 $0xFFFFFFFF;
	p2 =	slt.u32 s8, $0xFFFFF086  }
0x1c: {  	p1 =	slt.u32 s9, $0xF7A;
	s5 =	simm.s32 @!p2 $0x0  }
0x1d: {  	s5 =	simm.s32 @p1 $0x1;
	p0 =	seq.s32 s7, s2  }
0x1e: {  	s7 =	smul.u32 @!p0 $0xF7A, s2;
	p2 =	seq.s32 @!p0 s5, $0x0  }
0x1f: {  	s9 =	smul.u32 $0xF7A, s1;
	s8 =	simm.s32 @!p0 $0x1BF5;
	p2 =	por !p2, p0  }
0x20: {  	[sflag:s8] =	ssyncset.s32 @!p0 $0xFFFFF086;
	s6 =	sadd.s32 @!p0 s3, s7;
	s7 =	simm.s32 @!p0 $0x108  }
0x21: {  	s3 =	sadd.s32 s3, s9;
	s6 =	sadd.s32 @!p0 $0x88, s6;
	s7 =	simm.s32 @p2 $0x1082  }
0x22: {  	[simem:s7], [sflag:s8] =	dma.local @!p0 [hbm:s6], $0xF7A  }
0x23: {  	s9 =	sor.u32 $0xD0000000, s2;
	s6 =	simm.s32 $0x108;
	_ =	swait.ge @!p0 [sflag:s8], $0x0  }
0x24: {  	s3 =	sadd.s32 $0x88, s3;
	s6 =	simm.s32 @!p1 $0x1082;
	[sflag:s4] =	ssyncset.s32 $0xFFFFF086  }
0x25: {  	[simem:s6], [sflag:s4] =	dma.local [hbm:s3], $0xF7A  }
0x26: {  	[smem:$0x3F97] =	sst s1;
	(tag) =	ssettag s2;
	_ =	strace s9  }
0x27: {  	s1 =	sld [smem:$0x3FA7]  }
0x28: {  	s2 =	sld [smem:$0x3FA8]  }
0x29: {  	s4 =	sld [smem:$0x3FAA]  }
0x2a: {  	p0 =	seq.s32 s5, $0x0;
	s5 =	sld [smem:$0x3FAB]  }
0x2b: {  	s6 =	sld [smem:$0x3FAC]  }
0x2c: {  	s7 =	sld [smem:$0x3FAD]  }
0x2d: {  	s3 =	simm.s32 $0x108;
	s8 =	sld [smem:$0x3FAE]  }
0x2e: {  	s3 =	simm.s32 @!p0 $0x1082;
	s9 =	sld [smem:$0x3FAF]  }
0x2f: {  	lr =	sadd.s32 s0, s3;
	s0 =	sld [smem:$0x3FA6]  }
0x30: {  	s3 =	sld [smem:$0x3FA9]  }
0x31: {  	[smem:$0x3FB2] =	sst s10  }
0x32: {  	s10 =	sld [smem:$0x3FB0];
	_ =	sdelay $0x3  }
0x33: {  	p0 =	seq.s32 s10, $0x1;
	s10 =	sld [smem:$0x3FB2];
	_ =	sdelay $0x3  }
0x34: {  	[smem:$0x3FB2] =	sst s10  }
0x35: {  	s10 =	sld [smem:$0x3FB1];
	_ =	sdelay $0x3  }
0x36: {  	p1 =	seq.s32 s10, $0x1;
	s10 =	sld [smem:$0x3FB2];
	_ =	sdelay $0x3  }
0x37: {  	[smem:$0x3FB2] =	sst s10  }
0x38: {  	s10 =	sld [smem:$0x3FB3]  }
0x39: {  	_ = 	snop;
	(pc) =	sbr.ind lr, $3  }
0x3a: {  	_ = 	snop  }
0x3b: {  	_ = 	snop  }
0x3c: {  	p2 =	seq.s32 s10, $0x1;
	s10 =	sld [smem:$0x3FB2]  }
0x3d: {  	_ =	shalt  }
0x3e: {  	_ =	shalt  }
0x3f: {  	_ =	shalt  }
0x40: {  	_ =	shalt  }
0x41: {  	_ =	shalt  }
0x42: {  	_ =	shalt  }
0x43: {  	_ =	shalt  }
0x44: {  	_ =	shalt  }
0x45: {  	_ =	shalt  }
0x46: {  	_ =	shalt  }
0x47: {  	_ =	shalt  }
0x48: {  	_ =	shalt  }
0x49: {  	_ =	shalt  }
0x4a: {  	_ =	shalt  }
0x4b: {  	_ =	shalt  }
0x4c: {  	_ =	shalt  }
0x4d: {  	_ =	shalt  }
0x4e: {  	_ =	shalt  }
0x4f: {  	_ =	shalt  }
0x50: {  	_ =	shalt  }
0x51: {  	_ =	shalt  }
0x52: {  	_ =	shalt  }
0x53: {  	_ =	shalt  }
0x54: {  	_ =	shalt  }
0x55: {  	_ =	shalt  }
0x56: {  	_ =	shalt  }
0x57: {  	_ =	shalt  }
0x58: {  	_ =	shalt  }
0x59: {  	_ =	shalt  }
0x5a: {  	_ =	shalt  }
0x5b: {  	_ =	shalt  }
0x5c: {  	_ =	shalt  }
0x5d: {  	_ =	shalt  }
0x5e: {  	_ =	shalt  }
0x5f: {  	_ =	shalt  }
0x60: {  	_ =	shalt  }
0x61: {  	_ =	shalt  }
0x62: {  	_ =	shalt  }
0x63: {  	_ =	shalt  }
0x64: {  	_ =	shalt  }
0x65: {  	_ =	shalt  }
0x66: {  	_ =	shalt  }
0x67: {  	_ =	shalt  }
0x68: {  	_ =	shalt  }
0x69: {  	_ =	shalt  }
0x6a: {  	_ =	shalt  }
0x6b: {  	_ =	shalt  }
0x6c: {  	_ =	shalt  }
0x6d: {  	_ =	shalt  }
0x6e: {  	_ =	shalt  }
0x6f: {  	_ =	shalt  }
0x70: {  	_ =	shalt  }
0x71: {  	_ =	shalt  }
0x72: {  	_ =	shalt  }
0x73: {  	_ =	shalt  }
0x74: {  	_ =	shalt  }
0x75: {  	_ =	shalt  }
0x76: {  	_ =	shalt  }
0x77: {  	_ =	shalt  }
0x78: {  	_ =	shalt  }
0x79: {  	_ =	shalt  }
0x7a: {  	_ =	shalt  }
0x7b: {  	_ =	shalt  }
0x7c: {  	_ =	shalt  }
0x7d: {  	_ =	shalt  }
0x7e: {  	_ =	shalt  }
0x7f: {  	_ =	shalt  }
0x80: {  	_ =	shalt  }
0x81: {  	_ =	shalt  }
0x82: {  	_ =	shalt  }
0x83: {  	_ =	shalt  }
0x84: {  	_ =	shalt  }
0x85: {  	_ =	shalt  }
0x86: {  	_ =	shalt  }
0x87: {  	_ =	shalt  }
.Lfunc_end0:
.L_simem_size_0:
called_computation_lowered:
.L_overlay_start_0:
0x88: {  	s2 =	sld [smem:$0x3FD9]  }
0x89: {  	s3 =	sld [smem:$0x3FFE];
	_ =	sdelay $0x1  }
0x8a: {  	s1 =	srdreg.scid  }
0x8b: {  	s0 =	sand.u32 $0x1, s1  }
0x8c: {  	s17 =	sshll.u32 s0, $0xA;
	s2 =	sadd.s32 s3, s2  }
0x8d: {  	s2 =	sadd.s32 s2, s17  }
0x8e: {  	[smem:$0x3FBE] =	sst s2  }
0x8f: {  	_ = 	snop  }
0x90: {  	s2 =	sld [smem:$0x3FD0];
	(tm) =	ssettm $0x1  }
0x91: {  	s18 =	sld [smem:$0x3FFB];
	_ =	sdelay $0x3  }
0x92: {  	_ =	strace s18  }
0x93: {  	s3 =	sld [smem:$0x3FFC];
	_ =	sdelay $0x3  }
0x94: {  	_ =	strace s3  }
0x95: {  	s3 =	sld [smem:$0x3FFD];
	_ =	sdelay $0x3  }
0x96: {  	_ =	strace s3  }
0x97: {  	_ =	strace $0x8FFFFFFF  }
0x98: {  	s19 =	sld [smem:$0x3FDB];
	_ =	sdelay $0x1  }
0x99: {  	s4 =	simm.s32 $_scs_section_size  }
0x9a: {  	s5 =	simm.s32 $_size__tile_overlayer_lowered;
	s6 =	simm.s32 $_tile_overlayer_lowered  }
0x9b: {  	s22 =	simm.s32 $0x1BFF;
	s21 =	sshll.u32 s6, $0x1;
	s3 =	sadd.s32 s4, s19  }
0x9c: {  	s7 =	simm.s32 $0x0;
	s20 =	sshll.u32 s5, $0x1;
	s5 =	sadd.s32 s21, s3  }
0x9d: {  	[timem:s7], [sflag:s22] =	dma.local [hbm:s5], s20  }
0x9e: {  	_ =	swait.ge [sflag:s22], s20  }
0x9f: {  	s4 =	ssub.s32 $0x0, s20;
	[sflag:s22] =	ssyncset.done $0x0  }
0xa0: {  	[sflag:s22] =	ssyncadd.s32 s4;
	_ =	sdelay $0x1  }
0xa1: {  	s23 =	simm.s32 $0x1B8B  }
0xa2: {  	_ =	swait.ge [sflag:s23], $0x1  }
0xa3: {  	[sflag:s23] =	ssyncset.done $0x0  }
0xa4: {  	s25 =	simm.s32 $0x1B8E;
	s24 =	sld [smem:$0x3FFE];
	[sflag:s23] =	ssyncadd.s32 $0xFFFFFFFF  }
0xa5: {  	s26 =	simm.s32 $execute0_lowered;
	[smem:$0x3FD2] =	sst s25  }
0xa6: {  	s5 =	sshll.u32 s26, $0x1;
	_ =	strace $0x80000046;
	[dreg:$0x1] =	wrdreg $0xFFFFFFFF  }
0xa7: {  	s28 =	simm.s32 $_size_execute0_lowered;
	s3 =	sadd.s32 s3, s5;
	[dreg:$0x0] =	wrdreg $0x0  }
0xa8: {  	s5 =	sshll.u32 s28, $0x1;
	[dreg:$0x2] =	wrdreg s3  }
0xa9: {  	[dreg:$0x3] =	wrdreg s5  }
0xaa: {  	[dreg:$0x4] =	wrdreg $0xC0  }
0xab: {  	_ =	task [dreg:s7], $0x5FFFF  }
0xac: {  	[dreg:$0x1] =	wrdreg $0xFFFFFFFF  }
0xad: {  	[dreg:$0x0] =	wrdreg $0x60  }
0xae: {  	[dreg:$0x2] =	wrdreg s24  }
0xaf: {  	[dreg:$0x3] =	wrdreg s2  }
0xb0: {  	[dreg:$0x4] =	wrdreg $0x92000  }
0xb1: {  	[dreg:$0x5] =	wrdreg $0x9  }
0xb2: {  	_ =	task.clear_ibuf [dreg:s7], $0x6FFFF;
	_ =	strace $0x90000046  }
0xb3: {  	s29 =	simm.s32 $0x9;
	_ =	strace $0x80000048  }
0xb4: {  	_ =	swait.ge [sflag:s29], $0x1  }
0xb5: {  	[sflag:s29] =	ssyncadd.s32 $0xFFFFFFFF  }
0xb6: {  	_ =	strace $0x90000048  }
0xb7: {  	_ =	sfence  }
0xb8: {  	s30 =	sld [smem:$0x0];
	_ =	sdelay $0x2  }
0xb9: {  	s31 =	sshll.u32 s1, $0xD;
	s1 =	sshrl.u32 s1, $0x2  }
0xba: {  	s3 =	sand.u32 $0x4000, s31;
	s1 =	sadd.s32 s1, s30  }
0xbb: {  	s0 =	sor.u32 s3, s0;
	s1 =	sshll.u32 s1, $0x11  }
0xbc: {  	s0 =	sor.u32 s1, s0  }
0xbd: {  	s0 =	sadd.s32 $0x8F2B, s0  }
0xbe: {  	[sflag:s0] =	ssyncadd.remote.s32 $0x1  }
0xbf: {  	_ =	sfence.sel $0xFFFF  }
0xc0: {  	[dreg:$0x0] =	wrdreg $0xFFFFFFFF;
	(pc) =	sbr.abs _section_cstart, $3  }
0xc1: {  	[dreg:$0x1] =	wrdreg $0xFFFFFFFF  }
0xc2: {  	_ =	task.clear_ibuf [dreg:s7], $0x2FFFF;
	_ =	strace $0x9FFFFFFF  }
0xc3: {  	(tm) =	ssettm $0x7FFFFFFF  }
tec
execute0_lowered:
.L_overlay_start_1:
0x0: {  	(tag) =	ssettag $0x1  }
0x1: {  	s0 =	rddreg [dreg:$0x0]  }
0x2: {  	s2 =	rddreg [dreg:$0x1]  }
0x3: {  	s1 =	rddreg [dreg:$0x2]  }
0x4: {  	s3 =	simm.s32 $0x0;
	s5 =	srdreg.scid;
	s10 =	stileid.u32  }
0x5: {  	s29 =	simm.s32 $0x200;
	s30 =	simm.s32 $0x7;
	s6 =	smul.u32 $0xA000, s10  }
0x6: {  	s31 =	simm.s32 $0x5;
	[smem:$0x7FF] =	sst s3;
	s8 =	smul.u32 $0x280, s10  }
0x7: {  	s4 =	sadd.s32 $0x1800, s0;
	s5 =	sand.u32 $0x1, s5;
	s13 =	smul.u32 $0x5A000, s10  }
0x8: {  	s7 =	sadd.s32 $0x5B800, s0;
	s0 =	sadd.s32 $0x2E800, s0;
	s24 =	smul.u32 $0x1400, s10  }
0x9: {  	_ =	strace $0x80000047;
	[dreg:$0x4] =	wrdreg s7;
	s9 =	ssub.s32 $0x2, s5  }
0xa: {  	[dreg:$0x5] =	wrdreg s0;
	p0 =	seq.s32 s5, $0x1;
	s11 =	sshrl.u32 s9, $0x1  }
0xb: {  	s6 =	sshrl.u32 s6, $0x3;
	s14 =	sadd.s32 $0x80, s8;
	s18 =	sshrl.u32 s13, $0x2  }
0xc: {  	s22 =	sadd.s32 $0x36000, s13;
	s5 =	sadd.s32 $0x48000, s13;
	s24 =	sadd.s32 s24, s2  }
0xd: {  	s8 =	simm.s32 $0x4A00;
	s0 =	ssub.s32 s9, s11;
	s7 =	sadd.s32 s2, s6  }
0xe: {  	s17 =	smul.u32 $0x240, s14;
	s9 =	sadd.s32 $0x24000, s13;
	s23 =	sshrl.u32 s5, $0x2  }
0xf: {  	s5 =	simm.s32 $0x100;
	s6 =	simm.s32 $0x1;
	s12 =	sadd.s32 $0x20, s7  }
0x10: {  	s2 =	simm.s32 $0x6;
	s15 =	sadd.s32 $0x40, s7;
	[dreg:$0x6] =	wrdreg s12  }
0x11: {  	s11 =	simm.s32 $0x4;
	s16 =	sadd.s32 $0x13E0, s7;
	[dreg:$0x7] =	wrdreg s15  }
0x12: {  	s0 =	smax.u32 s0, $0x1;
	s20 =	sshrl.u32 s9, $0x2;
	[dreg:$0x8] =	wrdreg s16  }
0x13: {  	s9 =	simm.s32 $0x3;
	[dreg:$0x9] =	wrdreg s0;
	s0 =	sadd.s32 s18, s1  }
0x14: {  	s19 =	sshrl.u32 s17, $0x2;
	s21 =	sadd.s32 s20, s1;
	s15 =	smul.u32 $0x16800, s10  }
0x15: {  	s17 =	smul.u32 $0x90, s14;
	s10 =	simm.s32 $0x2;
	[dreg:$0xa] =	wrdreg s0  }
0x16: {  	s12 =	simm.s32 $0x0;
	s0 =	sadd.s32 s19, s1;
	[dreg:$0xc] =	wrdreg s21  }
0x17: {  	[dreg:$0xb] =	wrdreg s0;
	s0 =	sshrl.u32 s22, $0x2;
	s25 =	sshrl.u32 s15, $0x3  }
.Ltmp0:
0x18: {  	s26 =	sshrl.u32 s17, $0x3;
	[dreg:$0xf] =	wrdreg s25;
	(pc) =	sbr.rel .LBB2_1-.Ltmp0, $4  }
0x19: {  	s19 =	sadd.s32 $0x9000, s15;
	s0 =	sadd.s32 s0, s1;
	[dreg:$0x10] =	wrdreg s26  }
0x1a: {  	s22 =	sshrl.u32 s19, $0x3;
	s25 =	sadd.s32 $0x12000, s15;
	[dreg:$0xd] =	wrdreg s0  }
0x1b: {  	s0 =	sadd.s32 s23, s1;
	s23 =	sadd.s32 $0xD800, s15;
	s28 =	sshrl.u32 s25, $0x3  }
0x1c: {  	v0 =	vimm.f32 $0.0e+00;
	[dreg:$0xe] =	wrdreg s0;
	s26 =	sshrl.u32 s23, $0x3;
	s0 =	simm.s32 $0x80  }
.LBB2_6:
0x1d: {  	[tilespmem:s29], [sflag:$0x1] =	stream.indirect.gather [hbm4b:s4+s13], $0x90, s3, s13, $0xb8;
	[tilespmem:$0x1FA00] =	vst v63  }
0x1e: {  	s18 =	rddreg [dreg:$0x4]  }
.LBB2_10:
0x1f: {  	_ =	swait.ge [sflag:s11], $0x4800  }
0x20: {  	[sflag:s11] =	ssyncset.done $0x0  }
0x21: {  	s20 =	rddreg [dreg:$0x8];
	[sflag:s11] =	ssyncadd.s32 $0xFFFFB800  }
0x22: {  	[tilespmem:s5], [sflag:$0x6] =	stream.linear.gather [hbm4b:s20+s3], $0x100, $0x38;
	[tilespmem:$0x1FA00] =	vst v63  }
0x23: {  	_ =	swait.ge [sflag:s6], $0x4800  }
0x24: {  	[sflag:s6] =	ssyncset.done $0x0  }
0x25: {  	[sflag:s6] =	ssyncadd.s32 $0xFFFFB800  }
0x26: {  	[spmem:s1] =	stream.indirect.scatter.add.f32 [tilespmem:s29], [sflag:$0x3], $0x90, s13, s0, $0xb8;
	[tilespmem:$0x1FA00] =	vst v63  }
0x27: {  	_ =	swait.ge [sflag:s2], $0x100  }
0x28: {  	[sflag:s2] =	ssyncset.done $0x0  }
0x29: {  	[sflag:s2] =	ssyncadd.s32 $0xFFFFFF00  }
0x2a: {  	[tilespmem:s8], [sflag:$0x2] =	stream.indirect.gather [hbm4b:s4+s0], $0x90, s14, s0, $0xb8;
	[tilespmem:$0x1FA00] =	vst v63  }
0x2b: {  	_ =	swait.ge [sflag:s9], $0x4800  }
0x2c: {  	[sflag:s9] =	ssyncset.done $0x0  }
0x2d: {  	[sflag:s9] =	ssyncadd.s32 $0xFFFFB800  }
0x2e: {  	_ =	swait.ge [sflag:s10], $0x4800  }
0x2f: {  	[sflag:s10] =	ssyncset.done $0x0  }
0x30: {  	[sflag:s10] =	ssyncadd.s32 $0xFFFFB800  }
0x31: {  	[spmem:s1] =	stream.indirect.scatter.add.f32 [tilespmem:s8], [sflag:$0x4], $0x90, s16, s0, $0xb8;
	[tilespmem:$0x1FA00] =	vst v63  }
0x32: {  	s21 =	stileid.u32;
	_ =	swait.ge [sflag:s11], $0x4800  }
0x33: {  	s20 =	sadd.s32 s15, s1;
	s16 =	rddreg [dreg:$0xf];
	[sflag:s11] =	ssyncset.done $0x0  }
0x34: {  	s13 =	sadd.s32 s18, s16;
	[sflag:s11] =	ssyncadd.s32 $0xFFFFB800;
	s16 =	sshll.u32 s21, $0x6  }
0x35: {  	s14 =	sshrl.u32 s20, $0x3;
	[bflag:$0x0] =	sbarrier.arrive $0xFFFF;
	s16 =	sor.u32 $0x1C07, s16  }
0x36: {  	[hbm:s13], [sflag:s16] =	dma.local [spmem:s14], $0x900  }
0x37: {  	_ =	swait.ge [sflag:s30], $0x900  }
0x38: {  	s20 =	sadd.s32 s17, s1;
	[sflag:s30] =	ssyncset.done $0x0;
	s21 =	rddreg [dreg:$0x10]  }
0x39: {  	s13 =	sshrl.u32 s20, $0x3;
	s14 =	sadd.s32 s18, s21;
	[sflag:s30] =	ssyncadd.s32 $0xFFFFF700  }
0x3a: {  	[hbm:s14], [sflag:s16] =	dma.local [spmem:s13], $0x900  }
0x3b: {  	_ =	swait.ge [sflag:s30], $0x900  }
0x3c: {  	s20 =	sadd.s32 s19, s1;
	[sflag:s30] =	ssyncset.done $0x0  }
0x3d: {  	s21 =	sadd.s32 s18, s22;
	s13 =	sshrl.u32 s20, $0x3;
	[sflag:s30] =	ssyncadd.s32 $0xFFFFF700  }
0x3e: {  	[hbm:s21], [sflag:s16] =	dma.local [spmem:s13], $0x900  }
0x3f: {  	_ =	swait.ge [sflag:s30], $0x900  }
0x40: {  	s20 =	sadd.s32 s23, s1;
	[sflag:s30] =	ssyncset.done $0x0  }
0x41: {  	s21 =	sadd.s32 s18, s26;
	s13 =	sshrl.u32 s20, $0x3;
	[sflag:s30] =	ssyncadd.s32 $0xFFFFF700  }
0x42: {  	[hbm:s21], [sflag:s16] =	dma.local [spmem:s13], $0x900  }
0x43: {  	_ =	swait.ge [sflag:s30], $0x900  }
0x44: {  	s14 =	sadd.s32 s25, s1;
	[sflag:s30] =	ssyncset.done $0x0  }
0x45: {  	s20 =	sadd.s32 s18, s28;
	s13 =	sshrl.u32 s14, $0x3;
	[sflag:s30] =	ssyncadd.s32 $0xFFFFF700  }
0x46: {  	[hbm:s20], [sflag:s16] =	dma.local [spmem:s13], $0x900  }
0x47: {  	_ =	swait.ge [sflag:s30], $0x900  }
0x48: {  	s12 =	sadd.s32 $0x1, s12;
	s21 =	rddreg [dreg:$0x9]  }
0x49: {  	p1 =	sne.s32 s12, s21  }
.Ltmp1:
0x4a: {  	_ = 	snop;
	(pc) =	sbr.rel @!p1 .LBB2_11-.Ltmp1, $3  }
0x4b: {  	_ =	sdelay $0x1  }
0x4c: {  	[sflag:s30] =	ssyncset.done $0x0  }
0x4d: {  	[sflag:s30] =	ssyncadd.s32 $0xFFFFF700  }
.LBB2_1:
0x4e: {  	s13 =	simm.s32 $0x80;
	s14 =	simm.s32 $0x440  }
.LBB2_2:
0x4f: {  	p1 =	sne.s32 s14, $0x11FC0;
	[tilespmem:s13+$0x200] =	vst v0  }
0x50: {  	[tilespmem:s13+$0x180] =	vst v0  }
0x51: {  	[tilespmem:s13+$0x190] =	vst v0  }
0x52: {  	[tilespmem:s13+$0x1A0] =	vst v0  }
.Ltmp2:
0x53: {  	[tilespmem:s13+$0x1B0] =	vst v0;
	(pc) =	sbr.rel @p1 .LBB2_2-.Ltmp2, $4  }
0x54: {  	[tilespmem:s13+$0x1C0] =	vst v0  }
0x55: {  	[tilespmem:s13+$0x1D0] =	vst v0  }
0x56: {  	[tilespmem:s13+$0x1E0] =	vst v0  }
0x57: {  	[tilespmem:s13+$0x1F0] =	vst v0;
	s13 =	sshra.s32 s14, $0x2;
	s14 =	sadd.s32 $0x240, s14  }
0x58: {  	[tilespmem:s13+$0x200] =	vst v0  }
0x59: {  	[tilespmem:s13+$0x180] =	vst v0  }
0x5a: {  	[tilespmem:s13+$0x190] =	vst v0  }
0x5b: {  	[tilespmem:s13+$0x1A0] =	vst v0  }
0x5c: {  	[tilespmem:s13+$0x1B0] =	vst v0  }
0x5d: {  	[tilespmem:s13+$0x1C0] =	vst v0  }
0x5e: {  	[tilespmem:s13+$0x1D0] =	vst v0  }
0x5f: {  	[tilespmem:s13+$0x1E0] =	vst v0  }
0x60: {  	[tilespmem:s13+$0x1F0] =	vst v0;
	s14 =	rddreg [dreg:$0xa]  }
0x61: {  	[spmem:s14] =	stream.linear.scatter [tilespmem:s29], [sflag:$0x7], $0x4800, $0x38;
	[tilespmem:$0x1FA00] =	vst v63  }
0x62: {  	_ =	swait.ge [sflag:s30], $0x4800  }
0x63: {  	[sflag:s30] =	ssyncset.done $0x0  }
0x64: {  	s16 =	rddreg [dreg:$0xb];
	[sflag:s30] =	ssyncadd.s32 $0xFFFFB800  }
0x65: {  	[spmem:s16] =	stream.linear.scatter [tilespmem:s29], [sflag:$0x7], $0x4800, $0x38;
	[tilespmem:$0x1FA00] =	vst v63  }
0x66: {  	_ =	swait.ge [sflag:s30], $0x4800  }
0x67: {  	[sflag:s30] =	ssyncset.done $0x0  }
0x68: {  	s18 =	rddreg [dreg:$0xc];
	[sflag:s30] =	ssyncadd.s32 $0xFFFFB800  }
0x69: {  	[spmem:s18] =	stream.linear.scatter [tilespmem:s29], [sflag:$0x7], $0x4800, $0x38;
	[tilespmem:$0x1FA00] =	vst v63  }
0x6a: {  	_ =	swait.ge [sflag:s30], $0x4800  }
0x6b: {  	[sflag:s30] =	ssyncset.done $0x0  }
0x6c: {  	s20 =	rddreg [dreg:$0xd];
	[sflag:s30] =	ssyncadd.s32 $0xFFFFB800  }
0x6d: {  	[spmem:s20] =	stream.linear.scatter [tilespmem:s29], [sflag:$0x7], $0x4800, $0x38;
	[tilespmem:$0x1FA00] =	vst v63  }
0x6e: {  	_ =	swait.ge [sflag:s30], $0x4800  }
0x6f: {  	[sflag:s30] =	ssyncset.done $0x0  }
0x70: {  	s21 =	rddreg [dreg:$0xe];
	[sflag:s30] =	ssyncadd.s32 $0xFFFFB800  }
0x71: {  	[spmem:s21] =	stream.linear.scatter [tilespmem:s29], [sflag:$0x7], $0x4800, $0x38;
	[tilespmem:$0x1FA00] =	vst v63  }
0x72: {  	_ =	swait.ge [sflag:s30], $0x4800  }
0x73: {  	[sflag:s30] =	ssyncset.done $0x0  }
.Ltmp3:
0x74: {  	[sflag:s30] =	ssyncadd.s32 $0xFFFFB800;
	(pc) =	sbr.rel @!p0 .LBB2_4-.Ltmp3, $4  }
0x75: {  	[tilespmem:s3], [sflag:$0x5] =	stream.linear.gather [hbm4b:s7+s3], $0x100, $0x38;
	[tilespmem:$0x1FA00] =	vst v63  }
0x76: {  	_ =	swait.ge [sflag:s31], $0x100  }
0x77: {  	[sflag:s31] =	ssyncset.done $0x0  }
0x78: {  	[sflag:s31] =	ssyncadd.s32 $0xFFFFFF00  }
0x79: {  	[tilespmem:s29], [sflag:$0x1] =	stream.indirect.gather [hbm4b:s4+s0], $0x90, s0, s0, $0xb8;
	[tilespmem:$0x1FA00] =	vst v63  }
0x7a: {  	[bflag:$0x0] =	sbarrier.arrive $0xFFFF  }
0x7b: {  	s13 =	rddreg [dreg:$0x6]  }
0x7c: {  	[tilespmem:s5], [sflag:$0x6] =	stream.linear.gather [hbm4b:s13+s3], $0x100, $0x38;
	[tilespmem:$0x1FA00] =	vst v63  }
0x7d: {  	_ =	swait.ge [sflag:s6], $0x4800  }
0x7e: {  	[sflag:s6] =	ssyncset.done $0x0  }
0x7f: {  	[sflag:s6] =	ssyncadd.s32 $0xFFFFB800  }
0x80: {  	[spmem:s1] =	stream.indirect.scatter.add.f32 [tilespmem:s29], [sflag:$0x3], $0x90, s3, s0, $0xb8;
	[tilespmem:$0x1FA00] =	vst v63  }
0x81: {  	_ =	swait.ge [sflag:s2], $0x100  }
0x82: {  	[sflag:s2] =	ssyncset.done $0x0  }
0x83: {  	s20 =	simm.s32 $0x180;
	[sflag:s2] =	ssyncadd.s32 $0xFFFFFF00  }
0x84: {  	[tilespmem:s8], [sflag:$0x2] =	stream.indirect.gather [hbm4b:s4+s0], $0x90, s20, s0, $0xb8;
	[tilespmem:$0x1FA00] =	vst v63  }
0x85: {  	_ =	swait.ge [sflag:s9], $0x4800  }
0x86: {  	[sflag:s9] =	ssyncset.done $0x0  }
0x87: {  	s21 =	rddreg [dreg:$0x7];
	[sflag:s9] =	ssyncadd.s32 $0xFFFFB800  }
0x88: {  	[tilespmem:s3], [sflag:$0x5] =	stream.linear.gather [hbm4b:s21+s3], $0x100, $0x38;
	[tilespmem:$0x1FA00] =	vst v63  }
0x89: {  	_ =	swait.ge [sflag:s10], $0x4800  }
0x8a: {  	[sflag:s10] =	ssyncset.done $0x0  }
0x8b: {  	[sflag:s10] =	ssyncadd.s32 $0xFFFFB800  }
0x8c: {  	[spmem:s1] =	stream.indirect.scatter.add.f32 [tilespmem:s8], [sflag:$0x4], $0x90, s5, s0, $0xb8;
	[tilespmem:$0x1FA00] =	vst v63  }
0x8d: {  	_ =	swait.ge [sflag:s31], $0x100  }
0x8e: {  	[sflag:s31] =	ssyncset.done $0x0  }
0x8f: {  	[sflag:s31] =	ssyncadd.s32 $0xFFFFFF00  }
0x90: {  	[tilespmem:s29], [sflag:$0x1] =	stream.indirect.gather [hbm4b:s4+s0], $0x90, s0, s0, $0xb8;
	[tilespmem:$0x1FA00] =	vst v63  }
0x91: {  	_ =	swait.ge [sflag:s11], $0x4800  }
0x92: {  	s18 =	sadd.s32 $0xFFFFEC80, s24;
	s16 =	simm.s32 $0x100;
	[sflag:s11] =	ssyncset.done $0x0  }
0x93: {  	s14 =	sadd.s32 $0x13E0, s18;
	s13 =	simm.s32 $0x0;
	[sflag:s11] =	ssyncadd.s32 $0xFFFFB800  }
0x94: {  	[tilespmem:s16], [sflag:$0x6] =	stream.linear.gather [hbm4b:s14+s13], $0x100, $0x38;
	[tilespmem:$0x1FA00] =	vst v63  }
0x95: {  	_ =	swait.ge [sflag:s6], $0x4800  }
0x96: {  	[sflag:s6] =	ssyncset.done $0x0  }
0x97: {  	[sflag:s6] =	ssyncadd.s32 $0xFFFFB800  }
0x98: {  	[spmem:s1] =	stream.indirect.scatter.add.f32 [tilespmem:s29], [sflag:$0x3], $0x90, s13, s0, $0xb8;
	[tilespmem:$0x1FA00] =	vst v63  }
0x99: {  	_ =	swait.ge [sflag:s2], $0x100  }
0x9a: {  	[sflag:s2] =	ssyncset.done $0x0  }
0x9b: {  	s14 =	simm.s32 $0x180;
	[sflag:s2] =	ssyncadd.s32 $0xFFFFFF00  }
0x9c: {  	[tilespmem:s8], [sflag:$0x2] =	stream.indirect.gather [hbm4b:s4+s0], $0x90, s14, s0, $0xb8;
	[tilespmem:$0x1FA00] =	vst v63  }
0x9d: {  	_ =	swait.ge [sflag:s9], $0x4800  }
0x9e: {  	[sflag:s9] =	ssyncset.done $0x0  }
0x9f: {  	s18 =	sadd.s32 $0x1400, s18;
	[sflag:s9] =	ssyncadd.s32 $0xFFFFB800  }
0xa0: {  	[tilespmem:s13], [sflag:$0x5] =	stream.linear.gather [hbm4b:s18+s13], $0x100, $0x38;
	[tilespmem:$0x1FA00] =	vst v63  }
0xa1: {  	_ =	swait.ge [sflag:s10], $0x4800  }
0xa2: {  	[sflag:s10] =	ssyncset.done $0x0  }
0xa3: {  	[sflag:s10] =	ssyncadd.s32 $0xFFFFB800  }
0xa4: {  	[spmem:s1] =	stream.indirect.scatter.add.f32 [tilespmem:s8], [sflag:$0x4], $0x90, s16, s0, $0xb8;
	[tilespmem:$0x1FA00] =	vst v63  }
0xa5: {  	_ =	swait.ge [sflag:s31], $0x100  }
0xa6: {  	[sflag:s31] =	ssyncset.done $0x0  }
0xa7: {  	s18 =	simm.s32 $0xFFFFECC0;
	[sflag:s31] =	ssyncadd.s32 $0xFFFFFF00  }
.LBB2_8:
0xa8: {  	[tilespmem:s29], [sflag:$0x1] =	stream.indirect.gather [hbm4b:s4+s0], $0x90, s0, s0, $0xb8;
	[tilespmem:$0x1FA00] =	vst v63  }
0xa9: {  	s20 =	smov.u32 s18  }
0xaa: {  	p1 =	sne.s32 s18, $0xFFFFFFC0;
	s18 =	sadd.s32 $0x40, s18;
	_ =	swait.ge [sflag:s11], $0x4800  }
0xab: {  	s20 =	sadd.s32 s20, s24;
	[sflag:s11] =	ssyncset.done $0x0  }
0xac: {  	s21 =	sadd.s32 $0x13E0, s20;
	[sflag:s11] =	ssyncadd.s32 $0xFFFFB800  }
0xad: {  	[tilespmem:s16], [sflag:$0x6] =	stream.linear.gather [hbm4b:s21+s13], $0x100, $0x38;
	[tilespmem:$0x1FA00] =	vst v63  }
0xae: {  	_ =	swait.ge [sflag:s6], $0x4800  }
0xaf: {  	[sflag:s6] =	ssyncset.done $0x0  }
0xb0: {  	[sflag:s6] =	ssyncadd.s32 $0xFFFFB800  }
0xb1: {  	[spmem:s1] =	stream.indirect.scatter.add.f32 [tilespmem:s29], [sflag:$0x3], $0x90, s13, s0, $0xb8;
	[tilespmem:$0x1FA00] =	vst v63  }
0xb2: {  	_ =	swait.ge [sflag:s2], $0x100  }
0xb3: {  	[sflag:s2] =	ssyncset.done $0x0  }
0xb4: {  	[sflag:s2] =	ssyncadd.s32 $0xFFFFFF00  }
0xb5: {  	[tilespmem:s8], [sflag:$0x2] =	stream.indirect.gather [hbm4b:s4+s0], $0x90, s14, s0, $0xb8;
	[tilespmem:$0x1FA00] =	vst v63  }
0xb6: {  	_ =	swait.ge [sflag:s9], $0x4800  }
0xb7: {  	[sflag:s9] =	ssyncset.done $0x0  }
0xb8: {  	s20 =	sadd.s32 $0x1400, s20;
	[sflag:s9] =	ssyncadd.s32 $0xFFFFB800  }
0xb9: {  	[tilespmem:s13], [sflag:$0x5] =	stream.linear.gather [hbm4b:s20+s13], $0x100, $0x38;
	[tilespmem:$0x1FA00] =	vst v63  }
0xba: {  	_ =	swait.ge [sflag:s10], $0x4800  }
0xbb: {  	[sflag:s10] =	ssyncset.done $0x0  }
.Ltmp4:
0xbc: {  	[sflag:s10] =	ssyncadd.s32 $0xFFFFB800;
	(pc) =	sbr.rel @p1 .LBB2_8-.Ltmp4, $4  }
0xbd: {  	[spmem:s1] =	stream.indirect.scatter.add.f32 [tilespmem:s8], [sflag:$0x4], $0x90, s16, s0, $0xb8;
	[tilespmem:$0x1FA00] =	vst v63  }
0xbe: {  	_ =	swait.ge [sflag:s31], $0x100  }
0xbf: {  	[sflag:s31] =	ssyncset.done $0x0  }
0xc0: {  	[sflag:s31] =	ssyncadd.s32 $0xFFFFFF00  }
.Ltmp5:
0xc1: {  	(pc) =	sbr.rel .LBB2_10-.Ltmp5, $3  }
0xc2: {  	_ =	sdelay $0x1  }
0xc3: {  	[tilespmem:s29], [sflag:$0x1] =	stream.indirect.gather [hbm4b:s4+s0], $0x90, s0, s0, $0xb8;
	[tilespmem:$0x1FA00] =	vst v63  }
0xc4: {  	s18 =	rddreg [dreg:$0x5]  }
.LBB2_4:
0xc5: {  	[tilespmem:s29], [sflag:$0x1] =	stream.indirect.gather [hbm4b:s4+s0], $0x90, s3, s0, $0xb8;
	[tilespmem:$0x1FA00] =	vst v63  }
0xc6: {  	[bflag:$0x0] =	sbarrier.arrive $0xFFFF  }
0xc7: {  	s13 =	rddreg [dreg:$0x6]  }
0xc8: {  	[tilespmem:s5], [sflag:$0x6] =	stream.linear.gather [hbm4b:s13+s3], $0x100, $0x38;
	[tilespmem:$0x1FA00] =	vst v63  }
0xc9: {  	_ =	swait.ge [sflag:s6], $0x4800  }
0xca: {  	[sflag:s6] =	ssyncset.done $0x0  }
0xcb: {  	[sflag:s6] =	ssyncadd.s32 $0xFFFFB800  }
0xcc: {  	[spmem:s1] =	stream.indirect.scatter.add.f32 [tilespmem:s29], [sflag:$0x3], $0x90, s0, s0, $0xb8;
	[tilespmem:$0x1FA00] =	vst v63  }
0xcd: {  	_ =	swait.ge [sflag:s2], $0x100  }
0xce: {  	[sflag:s2] =	ssyncset.done $0x0  }
0xcf: {  	[sflag:s2] =	ssyncadd.s32 $0xFFFFFF00  }
0xd0: {  	[tilespmem:s8], [sflag:$0x2] =	stream.indirect.gather [hbm4b:s4+s0], $0x90, s5, s0, $0xb8;
	[tilespmem:$0x1FA00] =	vst v63  }
0xd1: {  	_ =	swait.ge [sflag:s9], $0x4800  }
0xd2: {  	[sflag:s9] =	ssyncset.done $0x0  }
0xd3: {  	s18 =	rddreg [dreg:$0x7];
	[sflag:s9] =	ssyncadd.s32 $0xFFFFB800  }
0xd4: {  	[tilespmem:s3], [sflag:$0x5] =	stream.linear.gather [hbm4b:s18+s3], $0x100, $0x38;
	[tilespmem:$0x1FA00] =	vst v63  }
0xd5: {  	_ =	swait.ge [sflag:s10], $0x4800  }
0xd6: {  	[sflag:s10] =	ssyncset.done $0x0  }
0xd7: {  	s20 =	simm.s32 $0x180;
	[sflag:s10] =	ssyncadd.s32 $0xFFFFB800  }
0xd8: {  	[spmem:s1] =	stream.indirect.scatter.add.f32 [tilespmem:s8], [sflag:$0x4], $0x90, s20, s0, $0xb8;
	[tilespmem:$0x1FA00] =	vst v63  }
0xd9: {  	_ =	swait.ge [sflag:s31], $0x100  }
0xda: {  	[sflag:s31] =	ssyncset.done $0x0  }
0xdb: {  	[sflag:s31] =	ssyncadd.s32 $0xFFFFFF00  }
0xdc: {  	[tilespmem:s29], [sflag:$0x1] =	stream.indirect.gather [hbm4b:s4+s0], $0x90, s3, s0, $0xb8;
	[tilespmem:$0x1FA00] =	vst v63  }
0xdd: {  	_ =	swait.ge [sflag:s11], $0x4800  }
0xde: {  	s16 =	sadd.s32 $0xFFFFEC80, s24;
	[sflag:s11] =	ssyncset.done $0x0  }
0xdf: {  	s14 =	simm.s32 $0x100;
	s21 =	sadd.s32 $0x13E0, s16;
	[sflag:s11] =	ssyncadd.s32 $0xFFFFB800  }
0xe0: {  	[tilespmem:s14], [sflag:$0x6] =	stream.linear.gather [hbm4b:s21+s3], $0x100, $0x38;
	[tilespmem:$0x1FA00] =	vst v63  }
0xe1: {  	_ =	swait.ge [sflag:s6], $0x4800  }
0xe2: {  	[sflag:s6] =	ssyncset.done $0x0  }
0xe3: {  	s13 =	simm.s32 $0x80;
	[sflag:s6] =	ssyncadd.s32 $0xFFFFB800  }
0xe4: {  	[spmem:s1] =	stream.indirect.scatter.add.f32 [tilespmem:s29], [sflag:$0x3], $0x90, s13, s13, $0xb8;
	[tilespmem:$0x1FA00] =	vst v63  }
0xe5: {  	_ =	swait.ge [sflag:s2], $0x100  }
0xe6: {  	[sflag:s2] =	ssyncset.done $0x0  }
0xe7: {  	[sflag:s2] =	ssyncadd.s32 $0xFFFFFF00  }
0xe8: {  	[tilespmem:s8], [sflag:$0x2] =	stream.indirect.gather [hbm4b:s4+s13], $0x90, s14, s13, $0xb8;
	[tilespmem:$0x1FA00] =	vst v63  }
0xe9: {  	_ =	swait.ge [sflag:s9], $0x4800  }
0xea: {  	[sflag:s9] =	ssyncset.done $0x0  }
0xeb: {  	s16 =	sadd.s32 $0x1400, s16;
	[sflag:s9] =	ssyncadd.s32 $0xFFFFB800  }
0xec: {  	[tilespmem:s3], [sflag:$0x5] =	stream.linear.gather [hbm4b:s16+s3], $0x100, $0x38;
	[tilespmem:$0x1FA00] =	vst v63  }
0xed: {  	_ =	swait.ge [sflag:s10], $0x4800  }
0xee: {  	[sflag:s10] =	ssyncset.done $0x0  }
0xef: {  	s16 =	simm.s32 $0x180;
	[sflag:s10] =	ssyncadd.s32 $0xFFFFB800  }
0xf0: {  	[spmem:s1] =	stream.indirect.scatter.add.f32 [tilespmem:s8], [sflag:$0x4], $0x90, s16, s13, $0xb8;
	[tilespmem:$0x1FA00] =	vst v63  }
0xf1: {  	_ =	swait.ge [sflag:s31], $0x100  }
0xf2: {  	[sflag:s31] =	ssyncset.done $0x0  }
0xf3: {  	s18 =	simm.s32 $0xFFFFECC0;
	[sflag:s31] =	ssyncadd.s32 $0xFFFFFF00  }
.LBB2_5:
0xf4: {  	[tilespmem:s29], [sflag:$0x1] =	stream.indirect.gather [hbm4b:s4+s13], $0x90, s3, s13, $0xb8;
	[tilespmem:$0x1FA00] =	vst v63  }
0xf5: {  	s20 =	smov.u32 s18  }
0xf6: {  	p1 =	seq.s32 s18, $0xFFFFFFC0;
	s18 =	sadd.s32 $0x40, s18;
	_ =	swait.ge [sflag:s11], $0x4800  }
0xf7: {  	s20 =	sadd.s32 s20, s24;
	[sflag:s11] =	ssyncset.done $0x0  }
0xf8: {  	s21 =	sadd.s32 $0x13E0, s20;
	[sflag:s11] =	ssyncadd.s32 $0xFFFFB800  }
0xf9: {  	[tilespmem:s14], [sflag:$0x6] =	stream.linear.gather [hbm4b:s21+s3], $0x100, $0x38;
	[tilespmem:$0x1FA00] =	vst v63  }
0xfa: {  	_ =	swait.ge [sflag:s6], $0x4800  }
0xfb: {  	[sflag:s6] =	ssyncset.done $0x0  }
0xfc: {  	[sflag:s6] =	ssyncadd.s32 $0xFFFFB800  }
0xfd: {  	[spmem:s1] =	stream.indirect.scatter.add.f32 [tilespmem:s29], [sflag:$0x3], $0x90, s13, s13, $0xb8;
	[tilespmem:$0x1FA00] =	vst v63  }
0xfe: {  	_ =	swait.ge [sflag:s2], $0x100  }
0xff: {  	[sflag:s2] =	ssyncset.done $0x0  }
0x100: {  	[sflag:s2] =	ssyncadd.s32 $0xFFFFFF00  }
0x101: {  	[tilespmem:s8], [sflag:$0x2] =	stream.indirect.gather [hbm4b:s4+s13], $0x90, s14, s13, $0xb8;
	[tilespmem:$0x1FA00] =	vst v63  }
0x102: {  	_ =	swait.ge [sflag:s9], $0x4800  }
0x103: {  	[sflag:s9] =	ssyncset.done $0x0  }
0x104: {  	s20 =	sadd.s32 $0x1400, s20;
	[sflag:s9] =	ssyncadd.s32 $0xFFFFB800  }
0x105: {  	[tilespmem:s3], [sflag:$0x5] =	stream.linear.gather [hbm4b:s20+s3], $0x100, $0x38;
	[tilespmem:$0x1FA00] =	vst v63  }
0x106: {  	_ =	swait.ge [sflag:s10], $0x4800  }
0x107: {  	[sflag:s10] =	ssyncset.done $0x0  }
.Ltmp6:
0x108: {  	[sflag:s10] =	ssyncadd.s32 $0xFFFFB800;
	(pc) =	sbr.rel @!p1 .LBB2_5-.Ltmp6, $4  }
0x109: {  	[spmem:s1] =	stream.indirect.scatter.add.f32 [tilespmem:s8], [sflag:$0x4], $0x90, s16, s13, $0xb8;
	[tilespmem:$0x1FA00] =	vst v63  }
0x10a: {  	_ =	swait.ge [sflag:s31], $0x100  }
0x10b: {  	[sflag:s31] =	ssyncset.done $0x0  }
0x10c: {  	[sflag:s31] =	ssyncadd.s32 $0xFFFFFF00  }
.Ltmp7:
0x10d: {  	_ = 	snop;
	(pc) =	sbr.rel .LBB2_6-.Ltmp7, $1  }
0x10e: {  	_ =	sdelay $0x3  }
.LBB2_11:
0x10f: {  	_ =	sfence.sel $0x180000  }
0x110: {  	[bflag:$0x0] =	sbarrier.arrive $0xFFFF  }
0x111: {  	_ =	strace $0x90000047  }
0x112: {  	s0 =	stileid.u32;
	[bflag:$0x2] =	sbarrier.arrive $0xFFFF  }
0x113: {  	p0 =	sne.s32 s0, $0x0;
	s0 =	rddreg [dreg:$0x3]  }
0x114: {  	s0 =	sadd.s32 @!p0 $0x100000, s0  }
0x115: {  	[sflag:s0] =	ssyncadd.tile.s32 @!p0 $0x1;
	_ =	shalt  }
.Lfunc_end2:
_tile_overlayer_lowered:
.L_overlay_start_2:
0x116: {  	(tag) =	ssettag $0x2  }
0x117: {  	s0 =	rddreg [dreg:$0x0];
	s2 =	stileid.u32  }
0x118: {  	s1 =	rddreg [dreg:$0x1];
	p0 =	sne.s32 s2, $0x0  }
0x119: {  	s3 =	rddreg [dreg:$0x2];
	[bflag:$0x3] =	sbarrier.arrive $0xFFFF;
	s2 =	simm.s32 @!p0 $0x1C07  }
0x11a: {  	[timem:s3], [sflag:s2] =	dma.local @!p0 [hbm:s0], s1  }
0x11b: {  	s0 =	simm.s32 @!p0 $0x7  }
0x11c: {  	_ =	swait.ge @!p0 [sflag:s0], s1  }
0x11d: {  	s1 =	ssub.s32 @!p0 $0x0, s1;
	[sflag:s0] =	ssyncset.done @!p0 $0x0  }
0x11e: {  	[sflag:s0] =	ssyncadd.s32 @!p0 s1  }
0x11f: {  	[bflag:$0x3] =	sbarrier.arrive $0xFFFF  }
0x120: {  	_ =	shalt  }

</sc_bundles>
